<compile_context>
chip_gen: v7x
topology: tpu7x:2x2x1
jax: 0.10.2.dev20260603
libtpu: 0.0.44.dev20260713+nightly
codegen_flags: <defaults>
</compile_context>

<pallas_src>
import functools

import jax
import jax.numpy as jnp
from jax import lax
from jax.experimental import pallas as pl
from jax.experimental.pallas import tpu as pltpu
from jax.experimental.pallas import tpu_sc as plsc

NUM_CORES = 2
NUM_SUBCORES = 16
NUM_WORKERS = NUM_CORES * NUM_SUBCORES
NBUF = 10
SPLIT = 2


@jax.jit
def _embed_lookup(idx_t, table):
    H, B0 = idx_t.shape
    D = table.shape[1]
    s_per_w = B0 // NUM_WORKERS
    n_chunks = H * SPLIT
    n_outer = n_chunks // NBUF
    c_sz = s_per_w // SPLIT
    mesh = plsc.VectorSubcoreMesh(core_axis_name="c", subcore_axis_name="s")

    @functools.partial(
        pl.kernel,
        out_type=jax.ShapeDtypeStruct((H, B0, D), jnp.float32),
        mesh=mesh,
        scratch_types=[
            pltpu.VMEM((H, s_per_w), jnp.int32),
            pltpu.VMEM((NBUF, c_sz, D), jnp.float32),
            pltpu.SemaphoreType.DMA((NBUF,)),
            pltpu.SemaphoreType.DMA((NBUF,)),
        ],
    )
    def k(idx_hbm, table_hbm, out_hbm, idx_v, bufs, gsem, osem):
        wid = lax.axis_index("s") * NUM_CORES + lax.axis_index("c")
        base = wid * s_per_w
        pltpu.sync_copy(idx_hbm.at[:, pl.ds(base, s_per_w)], idx_v)

        def outer(tt, carry):
            for b in range(NBUF):
                h = tt * (NBUF // SPLIT) + b // SPLIT
                off = (b % SPLIT) * c_sz

                @pl.when(tt > 0)
                def _wait_out(b=b):
                    pltpu.make_async_copy(
                        bufs.at[b],
                        out_hbm.at[0, pl.ds(base, c_sz)],
                        osem.at[b],
                    ).wait()

                pltpu.async_copy(
                    table_hbm.at[idx_v.at[h, pl.ds(off, c_sz)]],
                    bufs.at[b],
                    gsem.at[b],
                )
            for b in range(NBUF):
                h = tt * (NBUF // SPLIT) + b // SPLIT
                off = (b % SPLIT) * c_sz
                pltpu.make_async_copy(
                    table_hbm.at[idx_v.at[h, pl.ds(off, c_sz)]],
                    bufs.at[b],
                    gsem.at[b],
                ).wait()
                pltpu.async_copy(
                    bufs.at[b],
                    out_hbm.at[h, pl.ds(base + off, c_sz)],
                    osem.at[b],
                )
            return carry

        lax.fori_loop(0, n_outer, outer, 0)
        for b in range(NBUF):
            pltpu.make_async_copy(
                bufs.at[b], out_hbm.at[0, pl.ds(base, c_sz)], osem.at[b]
            ).wait()

    return k(idx_t, table)


def kernel(inputs, table):
    out_t = _embed_lookup(inputs.astype(jnp.int32).T, table)
    return out_t.transpose(1, 0, 2)

# --- scband reference (transcript-rebuilt; emitter-appended) ---
"""Pipeline reference for scband-embedding-representation-26723286516311 (READ-ONLY COPY).

The authoritative reference and input builder live on the scoring server;
editing this copy changes nothing except your own understanding.
"""

import jax, jax.numpy as jnp
import numpy as np

NUM_EMBEDDINGS = 100000
EMBEDDING_DIM = 128
BATCH = 4096
HIST_LEN = 50


def setup_inputs(seed: int = 0) -> dict:
    key = jax.random.key(seed)
    k_idx, k_tab = jax.random.split(key)
    inputs = jax.random.randint(k_idx, (BATCH, HIST_LEN), 0, NUM_EMBEDDINGS, dtype=jnp.int64 if jax.config.jax_enable_x64 else jnp.int32)
    table = jax.random.normal(k_tab, (NUM_EMBEDDINGS, EMBEDDING_DIM), dtype=jnp.float32)
    return {"inputs": inputs, "table": table}


def reference(inputs, table):
    # Faithful translation of nn.Embedding forward: gather rows of the table.
    return jnp.take(table, inputs, axis=0)

if __name__ == "__main__":
    import jax
    _d = setup_inputs()
    print(jax.jit(kernel)(*tuple(_d.values())))

</pallas_src>

<mosaic_0001>
#map = affine_map<(d0, d1) -> (0, 0)>
#map1 = affine_map<(d0, d1) -> (0, 0, 0)>
module attributes {stable_mosaic.version = 14 : i64} {
  func.func @k(%arg0: i32, %arg1: i32, %arg2: memref<50x4096xi32, #tpu.memory_space<hbm>>, %arg3: memref<100000x128xf32, #tpu.memory_space<hbm>>, %arg4: memref<50x4096x128xf32, #tpu.memory_space<hbm>>, %arg5: memref<50x128xi32, #tpu.memory_space<vmem>>, %arg6: memref<10x64x128xf32, #tpu.memory_space<vmem>>, %arg7: memref<10x!tpu.dma_semaphore, #tpu.memory_space<semaphore_mem>>, %arg8: memref<10x!tpu.dma_semaphore, #tpu.memory_space<semaphore_mem>>) attributes {dimension_semantics = [#tpu.dimension_semantics<core_parallel>, #tpu.dimension_semantics<subcore_parallel>], iteration_bounds = array<i64: 2, 16>, scalar_prefetch = 0 : i64, scratch_operands = 4 : i64, tpu.core_type = #tpu.core_type<sc_vector_subcore>, window_params = [{transform_indices = #map}, {transform_indices = #map}, {transform_indices = #map1}]} {
    %mul3A = arith.constant 2 : i32
    %mul3A_0 = arith.muli %arg1, %mul3A : i32
    %add3A = arith.addi %mul3A_0, %arg0 : i32
    %mul3A_1 = arith.constant 128 : i32
    %mul3A_2 = arith.muli %add3A, %mul3A_1 : i32
    "tpu.region"() ({
      %run_scoped3A = tpu.sem_alloc : memref<!tpu.dma_semaphore, #tpu.memory_space<semaphore_mem>>
      %dma_start3A = arith.constant 0 : i32
      %dma_start3A_197 = tpu.memref_slice %arg2[%dma_start3A, %mul3A_2] : memref<50x4096xi32, #tpu.memory_space<hbm>> -> memref<50x128xi32, #tpu.memory_space<hbm>>
      %dma_start3A_198 = arith.constant 0 : i32
      %dma_start3A_199 = tpu.memref_slice %arg2[%dma_start3A_198, %mul3A_2] : memref<50x4096xi32, #tpu.memory_space<hbm>> -> memref<50x128xi32, #tpu.memory_space<hbm>>
      tpu.enqueue_dma source(%dma_start3A_199 : memref<50x128xi32, #tpu.memory_space<hbm>>) target(%arg5 : memref<50x128xi32, #tpu.memory_space<vmem>>) target_semaphore(%run_scoped3A : memref<!tpu.dma_semaphore, #tpu.memory_space<semaphore_mem>>)
      %dma_wait3A_200 = arith.constant 0 : i32
      %dma_wait3A_201 = tpu.memref_slice %arg2[%dma_wait3A_200, %mul3A_2] : memref<50x4096xi32, #tpu.memory_space<hbm>> -> memref<50x128xi32, #tpu.memory_space<hbm>>
      %dma_wait3A_202 = arith.constant 0 : i32
      %dma_wait3A_203 = tpu.memref_slice %arg2[%dma_wait3A_202, %mul3A_2] : memref<50x4096xi32, #tpu.memory_space<hbm>> -> memref<50x128xi32, #tpu.memory_space<hbm>>
      tpu.wait_dma2 semaphore(%run_scoped3A : memref<!tpu.dma_semaphore, #tpu.memory_space<semaphore_mem>>) src(%dma_wait3A_203 : memref<50x128xi32, #tpu.memory_space<hbm>>) dst(%arg5 : memref<50x128xi32, #tpu.memory_space<vmem>>)
      tpu.yield
    }) : () -> ()
    %scan3A = arith.constant 0 : i32
    %scan3A_3 = arith.constant 0 : i32
    %scan3A_4 = arith.constant 10 : i32
    %scan3A_5 = arith.addi %scan3A_3, %scan3A_4 : i32
    %scan3A_6 = arith.constant 1 : i32
    scf.for %scan3A_197 = %scan3A_3 to %scan3A_5 step %scan3A_6  : i32 {
      %mul3A_198 = arith.constant 5 : i32
      %mul3A_199 = arith.muli %scan3A_197, %mul3A_198 : i32
      %add3A_200 = arith.constant 0 : i32
      %add3A_201 = arith.addi %mul3A_199, %add3A_200 : i32
      %gt3A = arith.constant 0 : i32
      %gt3A_202 = arith.cmpi sgt, %scan3A_197, %gt3A : i32
      %convert_element_type3A = arith.extui %gt3A_202 : i1 to i32
      %cond3A = arith.constant 0 : i32
      %cond3A_203 = arith.cmpi ne, %convert_element_type3A, %cond3A : i32
      scf.if %cond3A_203 {
        %dma_wait3A_804 = arith.constant 0 : i32
        %dma_wait3A_805 = arith.constant 0 : i32
        %dma_wait3A_806 = arith.constant 0 : i32
        %dma_wait3A_807 = arith.constant 0 : i32
        %dma_wait3A_808 = arith.constant 0 : i32
        %dma_wait3A_809 = tpu.memref_slice %arg6[%dma_wait3A_804, %dma_wait3A_807, %dma_wait3A_808] : memref<10x64x128xf32, #tpu.memory_space<vmem>> -> memref<1x64x128xf32, #tpu.memory_space<vmem>>
        %dma_wait3A_810 = tpu.memref_squeeze %dma_wait3A_809 : memref<1x64x128xf32, #tpu.memory_space<vmem>> -> memref<64x128xf32, #tpu.memory_space<vmem>>
        %dma_wait3A_811 = arith.constant 0 : i32
        %dma_wait3A_812 = tpu.memref_slice %arg4[%dma_wait3A_805, %mul3A_2, %dma_wait3A_811] : memref<50x4096x128xf32, #tpu.memory_space<hbm>> -> memref<1x64x128xf32, #tpu.memory_space<hbm>>
        %dma_wait3A_813 = tpu.memref_squeeze %dma_wait3A_812 : memref<1x64x128xf32, #tpu.memory_space<hbm>> -> memref<64x128xf32, #tpu.memory_space<hbm>>
        %dma_wait3A_814 = tpu.memref_slice %arg8[%dma_wait3A_806] : memref<10x!tpu.dma_semaphore, #tpu.memory_space<semaphore_mem>> -> memref<1x!tpu.dma_semaphore, #tpu.memory_space<semaphore_mem>>
        %dma_wait3A_815 = tpu.memref_squeeze %dma_wait3A_814 : memref<1x!tpu.dma_semaphore, #tpu.memory_space<semaphore_mem>> -> memref<!tpu.dma_semaphore, #tpu.memory_space<semaphore_mem>>
        %dma_wait3A_816 = arith.constant 0 : i32
        %dma_wait3A_817 = tpu.memref_slice %arg4[%dma_wait3A_805, %mul3A_2, %dma_wait3A_816] : memref<50x4096x128xf32, #tpu.memory_space<hbm>> -> memref<1x64x128xf32, #tpu.memory_space<hbm>>
        %dma_wait3A_818 = tpu.memref_squeeze %dma_wait3A_817 : memref<1x64x128xf32, #tpu.memory_space<hbm>> -> memref<64x128xf32, #tpu.memory_space<hbm>>
        %dma_wait3A_819 = arith.constant 0 : i32
        %dma_wait3A_820 = arith.constant 0 : i32
        %dma_wait3A_821 = tpu.memref_slice %arg6[%dma_wait3A_804, %dma_wait3A_819, %dma_wait3A_820] : memref<10x64x128xf32, #tpu.memory_space<vmem>> -> memref<1x64x128xf32, #tpu.memory_space<vmem>>
        %dma_wait3A_822 = tpu.memref_squeeze %dma_wait3A_821 : memref<1x64x128xf32, #tpu.memory_space<vmem>> -> memref<64x128xf32, #tpu.memory_space<vmem>>
        tpu.wait_dma2 semaphore(%dma_wait3A_815 : memref<!tpu.dma_semaphore, #tpu.memory_space<semaphore_mem>>) src(%dma_wait3A_822 : memref<64x128xf32, #tpu.memory_space<vmem>>) dst(%dma_wait3A_818 : memref<64x128xf32, #tpu.memory_space<hbm>>)
      } else {
      }
      %dma_start3A = arith.constant 0 : i32
      %dma_start3A_204 = arith.constant 0 : i32
      %dma_start3A_205 = arith.constant 0 : i32
      %dma_start3A_206 = arith.constant 0 : i32
      %dma_start3A_207 = tpu.memref_slice %arg6[%dma_start3A, %dma_start3A_205, %dma_start3A_206] : memref<10x64x128xf32, #tpu.memory_space<vmem>> -> memref<1x64x128xf32, #tpu.memory_space<vmem>>
      %dma_start3A_208 = tpu.memref_squeeze %dma_start3A_207 : memref<1x64x128xf32, #tpu.memory_space<vmem>> -> memref<64x128xf32, #tpu.memory_space<vmem>>
      %dma_start3A_209 = arith.constant 0 : i32
      %dma_start3A_210 = tpu.memref_slice %arg5[%add3A_201, %dma_start3A_209] : memref<50x128xi32, #tpu.memory_space<vmem>> -> memref<1x64xi32, #tpu.memory_space<vmem>>
      %dma_start3A_211 = tpu.memref_squeeze %dma_start3A_210 : memref<1x64xi32, #tpu.memory_space<vmem>> -> memref<64xi32, #tpu.memory_space<vmem>>
      %dma_start3A_212 = arith.constant 0 : i32
      %dma_start3A_213 = arith.constant 0 : i32
      %dma_start3A_214 = tpu.memref_slice %arg3[%dma_start3A_212, %dma_start3A_213] : memref<100000x128xf32, #tpu.memory_space<hbm>> -> memref<100000x128xf32, #tpu.memory_space<hbm>>
      %dma_start3A_215 = tpu.memref_slice %arg7[%dma_start3A_204] : memref<10x!tpu.dma_semaphore, #tpu.memory_space<semaphore_mem>> -> memref<1x!tpu.dma_semaphore, #tpu.memory_space<semaphore_mem>>
      %dma_start3A_216 = tpu.memref_squeeze %dma_start3A_215 : memref<1x!tpu.dma_semaphore, #tpu.memory_space<semaphore_mem>> -> memref<!tpu.dma_semaphore, #tpu.memory_space<semaphore_mem>>
      tpu.enqueue_indirect_dma source(%dma_start3A_214 : memref<100000x128xf32, #tpu.memory_space<hbm>>) target(%dma_start3A_208 : memref<64x128xf32, #tpu.memory_space<vmem>>) offsets(%dma_start3A_211 : memref<64xi32, #tpu.memory_space<vmem>>) semaphore(%dma_start3A_216 : memref<!tpu.dma_semaphore, #tpu.memory_space<semaphore_mem>>)
      %mul3A_217 = arith.constant 5 : i32
      %mul3A_218 = arith.muli %scan3A_197, %mul3A_217 : i32
      %add3A_219 = arith.constant 0 : i32
      %add3A_220 = arith.addi %mul3A_218, %add3A_219 : i32
      %gt3A_221 = arith.constant 0 : i32
      %gt3A_222 = arith.cmpi sgt, %scan3A_197, %gt3A_221 : i32
      %convert_element_type3A_223 = arith.extui %gt3A_222 : i1 to i32
      %cond3A_224 = arith.constant 0 : i32
      %cond3A_225 = arith.cmpi ne, %convert_element_type3A_223, %cond3A_224 : i32
      scf.if %cond3A_225 {
        %dma_wait3A_804 = arith.constant 1 : i32
        %dma_wait3A_805 = arith.constant 0 : i32
        %dma_wait3A_806 = arith.constant 1 : i32
        %dma_wait3A_807 = arith.constant 0 : i32
        %dma_wait3A_808 = arith.constant 0 : i32
        %dma_wait3A_809 = tpu.memref_slice %arg6[%dma_wait3A_804, %dma_wait3A_807, %dma_wait3A_808] : memref<10x64x128xf32, #tpu.memory_space<vmem>> -> memref<1x64x128xf32, #tpu.memory_space<vmem>>
        %dma_wait3A_810 = tpu.memref_squeeze %dma_wait3A_809 : memref<1x64x128xf32, #tpu.memory_space<vmem>> -> memref<64x128xf32, #tpu.memory_space<vmem>>
        %dma_wait3A_811 = arith.constant 0 : i32
        %dma_wait3A_812 = tpu.memref_slice %arg4[%dma_wait3A_805, %mul3A_2, %dma_wait3A_811] : memref<50x4096x128xf32, #tpu.memory_space<hbm>> -> memref<1x64x128xf32, #tpu.memory_space<hbm>>
        %dma_wait3A_813 = tpu.memref_squeeze %dma_wait3A_812 : memref<1x64x128xf32, #tpu.memory_space<hbm>> -> memref<64x128xf32, #tpu.memory_space<hbm>>
        %dma_wait3A_814 = tpu.memref_slice %arg8[%dma_wait3A_806] : memref<10x!tpu.dma_semaphore, #tpu.memory_space<semaphore_mem>> -> memref<1x!tpu.dma_semaphore, #tpu.memory_space<semaphore_mem>>
        %dma_wait3A_815 = tpu.memref_squeeze %dma_wait3A_814 : memref<1x!tpu.dma_semaphore, #tpu.memory_space<semaphore_mem>> -> memref<!tpu.dma_semaphore, #tpu.memory_space<semaphore_mem>>
        %dma_wait3A_816 = arith.constant 0 : i32
        %dma_wait3A_817 = tpu.memref_slice %arg4[%dma_wait3A_805, %mul3A_2, %dma_wait3A_816] : memref<50x4096x128xf32, #tpu.memory_space<hbm>> -> memref<1x64x128xf32, #tpu.memory_space<hbm>>
        %dma_wait3A_818 = tpu.memref_squeeze %dma_wait3A_817 : memref<1x64x128xf32, #tpu.memory_space<hbm>> -> memref<64x128xf32, #tpu.memory_space<hbm>>
        %dma_wait3A_819 = arith.constant 0 : i32
        %dma_wait3A_820 = arith.constant 0 : i32
        %dma_wait3A_821 = tpu.memref_slice %arg6[%dma_wait3A_804, %dma_wait3A_819, %dma_wait3A_820] : memref<10x64x128xf32, #tpu.memory_space<vmem>> -> memref<1x64x128xf32, #tpu.memory_space<vmem>>
        %dma_wait3A_822 = tpu.memref_squeeze %dma_wait3A_821 : memref<1x64x128xf32, #tpu.memory_space<vmem>> -> memref<64x128xf32, #tpu.memory_space<vmem>>
        tpu.wait_dma2 semaphore(%dma_wait3A_815 : memref<!tpu.dma_semaphore, #tpu.memory_space<semaphore_mem>>) src(%dma_wait3A_822 : memref<64x128xf32, #tpu.memory_space<vmem>>) dst(%dma_wait3A_818 : memref<64x128xf32, #tpu.memory_space<hbm>>)
      } else {
      }
      %dma_start3A_226 = arith.constant 1 : i32
      %dma_start3A_227 = arith.constant 1 : i32
      %dma_start3A_228 = arith.constant 0 : i32
      %dma_start3A_229 = arith.constant 0 : i32
      %dma_start3A_230 = tpu.memref_slice %arg6[%dma_start3A_226, %dma_start3A_228, %dma_start3A_229] : memref<10x64x128xf32, #tpu.memory_space<vmem>> -> memref<1x64x128xf32, #tpu.memory_space<vmem>>
      %dma_start3A_231 = tpu.memref_squeeze %dma_start3A_230 : memref<1x64x128xf32, #tpu.memory_space<vmem>> -> memref<64x128xf32, #tpu.memory_space<vmem>>
      %dma_start3A_232 = arith.constant 64 : i32
      %dma_start3A_233 = tpu.memref_slice %arg5[%add3A_220, %dma_start3A_232] : memref<50x128xi32, #tpu.memory_space<vmem>> -> memref<1x64xi32, #tpu.memory_space<vmem>>
      %dma_start3A_234 = tpu.memref_squeeze %dma_start3A_233 : memref<1x64xi32, #tpu.memory_space<vmem>> -> memref<64xi32, #tpu.memory_space<vmem>>
      %dma_start3A_235 = arith.constant 0 : i32
      %dma_start3A_236 = arith.constant 0 : i32
      %dma_start3A_237 = tpu.memref_slice %arg3[%dma_start3A_235, %dma_start3A_236] : memref<100000x128xf32, #tpu.memory_space<hbm>> -> memref<100000x128xf32, #tpu.memory_space<hbm>>
      %dma_start3A_238 = tpu.memref_slice %arg7[%dma_start3A_227] : memref<10x!tpu.dma_semaphore, #tpu.memory_space<semaphore_mem>> -> memref<1x!tpu.dma_semaphore, #tpu.memory_space<semaphore_mem>>
      %dma_start3A_239 = tpu.memref_squeeze %dma_start3A_238 : memref<1x!tpu.dma_semaphore, #tpu.memory_space<semaphore_mem>> -> memref<!tpu.dma_semaphore, #tpu.memory_space<semaphore_mem>>
      tpu.enqueue_indirect_dma source(%dma_start3A_237 : memref<100000x128xf32, #tpu.memory_space<hbm>>) target(%dma_start3A_231 : memref<64x128xf32, #tpu.memory_space<vmem>>) offsets(%dma_start3A_234 : memref<64xi32, #tpu.memory_space<vmem>>) semaphore(%dma_start3A_239 : memref<!tpu.dma_semaphore, #tpu.memory_space<semaphore_mem>>)
      %mul3A_240 = arith.constant 5 : i32
      %mul3A_241 = arith.muli %scan3A_197, %mul3A_240 : i32
      %add3A_242 = arith.constant 1 : i32
      %add3A_243 = arith.addi %mul3A_241, %add3A_242 : i32
      %gt3A_244 = arith.constant 0 : i32
      %gt3A_245 = arith.cmpi sgt, %scan3A_197, %gt3A_244 : i32
      %convert_element_type3A_246 = arith.extui %gt3A_245 : i1 to i32
      %cond3A_247 = arith.constant 0 : i32
      %cond3A_248 = arith.cmpi ne, %convert_element_type3A_246, %cond3A_247 : i32
      scf.if %cond3A_248 {
        %dma_wait3A_804 = arith.constant 2 : i32
        %dma_wait3A_805 = arith.constant 0 : i32
        %dma_wait3A_806 = arith.constant 2 : i32
        %dma_wait3A_807 = arith.constant 0 : i32
        %dma_wait3A_808 = arith.constant 0 : i32
        %dma_wait3A_809 = tpu.memref_slice %arg6[%dma_wait3A_804, %dma_wait3A_807, %dma_wait3A_808] : memref<10x64x128xf32, #tpu.memory_space<vmem>> -> memref<1x64x128xf32, #tpu.memory_space<vmem>>
        %dma_wait3A_810 = tpu.memref_squeeze %dma_wait3A_809 : memref<1x64x128xf32, #tpu.memory_space<vmem>> -> memref<64x128xf32, #tpu.memory_space<vmem>>
        %dma_wait3A_811 = arith.constant 0 : i32
        %dma_wait3A_812 = tpu.memref_slice %arg4[%dma_wait3A_805, %mul3A_2, %dma_wait3A_811] : memref<50x4096x128xf32, #tpu.memory_space<hbm>> -> memref<1x64x128xf32, #tpu.memory_space<hbm>>
        %dma_wait3A_813 = tpu.memref_squeeze %dma_wait3A_812 : memref<1x64x128xf32, #tpu.memory_space<hbm>> -> memref<64x128xf32, #tpu.memory_space<hbm>>
        %dma_wait3A_814 = tpu.memref_slice %arg8[%dma_wait3A_806] : memref<10x!tpu.dma_semaphore, #tpu.memory_space<semaphore_mem>> -> memref<1x!tpu.dma_semaphore, #tpu.memory_space<semaphore_mem>>
        %dma_wait3A_815 = tpu.memref_squeeze %dma_wait3A_814 : memref<1x!tpu.dma_semaphore, #tpu.memory_space<semaphore_mem>> -> memref<!tpu.dma_semaphore, #tpu.memory_space<semaphore_mem>>
        %dma_wait3A_816 = arith.constant 0 : i32
        %dma_wait3A_817 = tpu.memref_slice %arg4[%dma_wait3A_805, %mul3A_2, %dma_wait3A_816] : memref<50x4096x128xf32, #tpu.memory_space<hbm>> -> memref<1x64x128xf32, #tpu.memory_space<hbm>>
        %dma_wait3A_818 = tpu.memref_squeeze %dma_wait3A_817 : memref<1x64x128xf32, #tpu.memory_space<hbm>> -> memref<64x128xf32, #tpu.memory_space<hbm>>
        %dma_wait3A_819 = arith.constant 0 : i32
        %dma_wait3A_820 = arith.constant 0 : i32
        %dma_wait3A_821 = tpu.memref_slice %arg6[%dma_wait3A_804, %dma_wait3A_819, %dma_wait3A_820] : memref<10x64x128xf32, #tpu.memory_space<vmem>> -> memref<1x64x128xf32, #tpu.memory_space<vmem>>
        %dma_wait3A_822 = tpu.memref_squeeze %dma_wait3A_821 : memref<1x64x128xf32, #tpu.memory_space<vmem>> -> memref<64x128xf32, #tpu.memory_space<vmem>>
        tpu.wait_dma2 semaphore(%dma_wait3A_815 : memref<!tpu.dma_semaphore, #tpu.memory_space<semaphore_mem>>) src(%dma_wait3A_822 : memref<64x128xf32, #tpu.memory_space<vmem>>) dst(%dma_wait3A_818 : memref<64x128xf32, #tpu.memory_space<hbm>>)
      } else {
      }
      %dma_start3A_249 = arith.constant 2 : i32
      %dma_start3A_250 = arith.constant 2 : i32
      %dma_start3A_251 = arith.constant 0 : i32
      %dma_start3A_252 = arith.constant 0 : i32
      %dma_start3A_253 = tpu.memref_slice %arg6[%dma_start3A_249, %dma_start3A_251, %dma_start3A_252] : memref<10x64x128xf32, #tpu.memory_space<vmem>> -> memref<1x64x128xf32, #tpu.memory_space<vmem>>
      %dma_start3A_254 = tpu.memref_squeeze %dma_start3A_253 : memref<1x64x128xf32, #tpu.memory_space<vmem>> -> memref<64x128xf32, #tpu.memory_space<vmem>>
      %dma_start3A_255 = arith.constant 0 : i32
      %dma_start3A_256 = tpu.memref_slice %arg5[%add3A_243, %dma_start3A_255] : memref<50x128xi32, #tpu.memory_space<vmem>> -> memref<1x64xi32, #tpu.memory_space<vmem>>
      %dma_start3A_257 = tpu.memref_squeeze %dma_start3A_256 : memref<1x64xi32, #tpu.memory_space<vmem>> -> memref<64xi32, #tpu.memory_space<vmem>>
      %dma_start3A_258 = arith.constant 0 : i32
      %dma_start3A_259 = arith.constant 0 : i32
      %dma_start3A_260 = tpu.memref_slice %arg3[%dma_start3A_258, %dma_start3A_259] : memref<100000x128xf32, #tpu.memory_space<hbm>> -> memref<100000x128xf32, #tpu.memory_space<hbm>>
      %dma_start3A_261 = tpu.memref_slice %arg7[%dma_start3A_250] : memref<10x!tpu.dma_semaphore, #tpu.memory_space<semaphore_mem>> -> memref<1x!tpu.dma_semaphore, #tpu.memory_space<semaphore_mem>>
      %dma_start3A_262 = tpu.memref_squeeze %dma_start3A_261 : memref<1x!tpu.dma_semaphore, #tpu.memory_space<semaphore_mem>> -> memref<!tpu.dma_semaphore, #tpu.memory_space<semaphore_mem>>
      tpu.enqueue_indirect_dma source(%dma_start3A_260 : memref<100000x128xf32, #tpu.memory_space<hbm>>) target(%dma_start3A_254 : memref<64x128xf32, #tpu.memory_space<vmem>>) offsets(%dma_start3A_257 : memref<64xi32, #tpu.memory_space<vmem>>) semaphore(%dma_start3A_262 : memref<!tpu.dma_semaphore, #tpu.memory_space<semaphore_mem>>)
      %mul3A_263 = arith.constant 5 : i32
      %mul3A_264 = arith.muli %scan3A_197, %mul3A_263 : i32
      %add3A_265 = arith.constant 1 : i32
      %add3A_266 = arith.addi %mul3A_264, %add3A_265 : i32
      %gt3A_267 = arith.constant 0 : i32
      %gt3A_268 = arith.cmpi sgt, %scan3A_197, %gt3A_267 : i32
      %convert_element_type3A_269 = arith.extui %gt3A_268 : i1 to i32
      %cond3A_270 = arith.constant 0 : i32
      %cond3A_271 = arith.cmpi ne, %convert_element_type3A_269, %cond3A_270 : i32
      scf.if %cond3A_271 {
        %dma_wait3A_804 = arith.constant 3 : i32
        %dma_wait3A_805 = arith.constant 0 : i32
        %dma_wait3A_806 = arith.constant 3 : i32
        %dma_wait3A_807 = arith.constant 0 : i32
        %dma_wait3A_808 = arith.constant 0 : i32
        %dma_wait3A_809 = tpu.memref_slice %arg6[%dma_wait3A_804, %dma_wait3A_807, %dma_wait3A_808] : memref<10x64x128xf32, #tpu.memory_space<vmem>> -> memref<1x64x128xf32, #tpu.memory_space<vmem>>
        %dma_wait3A_810 = tpu.memref_squeeze %dma_wait3A_809 : memref<1x64x128xf32, #tpu.memory_space<vmem>> -> memref<64x128xf32, #tpu.memory_space<vmem>>
        %dma_wait3A_811 = arith.constant 0 : i32
        %dma_wait3A_812 = tpu.memref_slice %arg4[%dma_wait3A_805, %mul3A_2, %dma_wait3A_811] : memref<50x4096x128xf32, #tpu.memory_space<hbm>> -> memref<1x64x128xf32, #tpu.memory_space<hbm>>
        %dma_wait3A_813 = tpu.memref_squeeze %dma_wait3A_812 : memref<1x64x128xf32, #tpu.memory_space<hbm>> -> memref<64x128xf32, #tpu.memory_space<hbm>>
        %dma_wait3A_814 = tpu.memref_slice %arg8[%dma_wait3A_806] : memref<10x!tpu.dma_semaphore, #tpu.memory_space<semaphore_mem>> -> memref<1x!tpu.dma_semaphore, #tpu.memory_space<semaphore_mem>>
        %dma_wait3A_815 = tpu.memref_squeeze %dma_wait3A_814 : memref<1x!tpu.dma_semaphore, #tpu.memory_space<semaphore_mem>> -> memref<!tpu.dma_semaphore, #tpu.memory_space<semaphore_mem>>
        %dma_wait3A_816 = arith.constant 0 : i32
        %dma_wait3A_817 = tpu.memref_slice %arg4[%dma_wait3A_805, %mul3A_2, %dma_wait3A_816] : memref<50x4096x128xf32, #tpu.memory_space<hbm>> -> memref<1x64x128xf32, #tpu.memory_space<hbm>>
        %dma_wait3A_818 = tpu.memref_squeeze %dma_wait3A_817 : memref<1x64x128xf32, #tpu.memory_space<hbm>> -> memref<64x128xf32, #tpu.memory_space<hbm>>
        %dma_wait3A_819 = arith.constant 0 : i32
        %dma_wait3A_820 = arith.constant 0 : i32
        %dma_wait3A_821 = tpu.memref_slice %arg6[%dma_wait3A_804, %dma_wait3A_819, %dma_wait3A_820] : memref<10x64x128xf32, #tpu.memory_space<vmem>> -> memref<1x64x128xf32, #tpu.memory_space<vmem>>
        %dma_wait3A_822 = tpu.memref_squeeze %dma_wait3A_821 : memref<1x64x128xf32, #tpu.memory_space<vmem>> -> memref<64x128xf32, #tpu.memory_space<vmem>>
        tpu.wait_dma2 semaphore(%dma_wait3A_815 : memref<!tpu.dma_semaphore, #tpu.memory_space<semaphore_mem>>) src(%dma_wait3A_822 : memref<64x128xf32, #tpu.memory_space<vmem>>) dst(%dma_wait3A_818 : memref<64x128xf32, #tpu.memory_space<hbm>>)
      } else {
      }
      %dma_start3A_272 = arith.constant 3 : i32
      %dma_start3A_273 = arith.constant 3 : i32
      %dma_start3A_274 = arith.constant 0 : i32
      %dma_start3A_275 = arith.constant 0 : i32
      %dma_start3A_276 = tpu.memref_slice %arg6[%dma_start3A_272, %dma_start3A_274, %dma_start3A_275] : memref<10x64x128xf32, #tpu.memory_space<vmem>> -> memref<1x64x128xf32, #tpu.memory_space<vmem>>
      %dma_start3A_277 = tpu.memref_squeeze %dma_start3A_276 : memref<1x64x128xf32, #tpu.memory_space<vmem>> -> memref<64x128xf32, #tpu.memory_space<vmem>>
      %dma_start3A_278 = arith.constant 64 : i32
      %dma_start3A_279 = tpu.memref_slice %arg5[%add3A_266, %dma_start3A_278] : memref<50x128xi32, #tpu.memory_space<vmem>> -> memref<1x64xi32, #tpu.memory_space<vmem>>
      %dma_start3A_280 = tpu.memref_squeeze %dma_start3A_279 : memref<1x64xi32, #tpu.memory_space<vmem>> -> memref<64xi32, #tpu.memory_space<vmem>>
      %dma_start3A_281 = arith.constant 0 : i32
      %dma_start3A_282 = arith.constant 0 : i32
      %dma_start3A_283 = tpu.memref_slice %arg3[%dma_start3A_281, %dma_start3A_282] : memref<100000x128xf32, #tpu.memory_space<hbm>> -> memref<100000x128xf32, #tpu.memory_space<hbm>>
      %dma_start3A_284 = tpu.memref_slice %arg7[%dma_start3A_273] : memref<10x!tpu.dma_semaphore, #tpu.memory_space<semaphore_mem>> -> memref<1x!tpu.dma_semaphore, #tpu.memory_space<semaphore_mem>>
      %dma_start3A_285 = tpu.memref_squeeze %dma_start3A_284 : memref<1x!tpu.dma_semaphore, #tpu.memory_space<semaphore_mem>> -> memref<!tpu.dma_semaphore, #tpu.memory_space<semaphore_mem>>
      tpu.enqueue_indirect_dma source(%dma_start3A_283 : memref<100000x128xf32, #tpu.memory_space<hbm>>) target(%dma_start3A_277 : memref<64x128xf32, #tpu.memory_space<vmem>>) offsets(%dma_start3A_280 : memref<64xi32, #tpu.memory_space<vmem>>) semaphore(%dma_start3A_285 : memref<!tpu.dma_semaphore, #tpu.memory_space<semaphore_mem>>)
      %mul3A_286 = arith.constant 5 : i32
      %mul3A_287 = arith.muli %scan3A_197, %mul3A_286 : i32
      %add3A_288 = arith.constant 2 : i32
      %add3A_289 = arith.addi %mul3A_287, %add3A_288 : i32
      %gt3A_290 = arith.constant 0 : i32
      %gt3A_291 = arith.cmpi sgt, %scan3A_197, %gt3A_290 : i32
      %convert_element_type3A_292 = arith.extui %gt3A_291 : i1 to i32
      %cond3A_293 = arith.constant 0 : i32
      %cond3A_294 = arith.cmpi ne, %convert_element_type3A_292, %cond3A_293 : i32
      scf.if %cond3A_294 {
        %dma_wait3A_804 = arith.constant 4 : i32
        %dma_wait3A_805 = arith.constant 0 : i32
        %dma_wait3A_806 = arith.constant 4 : i32
        %dma_wait3A_807 = arith.constant 0 : i32
        %dma_wait3A_808 = arith.constant 0 : i32
        %dma_wait3A_809 = tpu.memref_slice %arg6[%dma_wait3A_804, %dma_wait3A_807, %dma_wait3A_808] : memref<10x64x128xf32, #tpu.memory_space<vmem>> -> memref<1x64x128xf32, #tpu.memory_space<vmem>>
        %dma_wait3A_810 = tpu.memref_squeeze %dma_wait3A_809 : memref<1x64x128xf32, #tpu.memory_space<vmem>> -> memref<64x128xf32, #tpu.memory_space<vmem>>
        %dma_wait3A_811 = arith.constant 0 : i32
        %dma_wait3A_812 = tpu.memref_slice %arg4[%dma_wait3A_805, %mul3A_2, %dma_wait3A_811] : memref<50x4096x128xf32, #tpu.memory_space<hbm>> -> memref<1x64x128xf32, #tpu.memory_space<hbm>>
        %dma_wait3A_813 = tpu.memref_squeeze %dma_wait3A_812 : memref<1x64x128xf32, #tpu.memory_space<hbm>> -> memref<64x128xf32, #tpu.memory_space<hbm>>
        %dma_wait3A_814 = tpu.memref_slice %arg8[%dma_wait3A_806] : memref<10x!tpu.dma_semaphore, #tpu.memory_space<semaphore_mem>> -> memref<1x!tpu.dma_semaphore, #tpu.memory_space<semaphore_mem>>
        %dma_wait3A_815 = tpu.memref_squeeze %dma_wait3A_814 : memref<1x!tpu.dma_semaphore, #tpu.memory_space<semaphore_mem>> -> memref<!tpu.dma_semaphore, #tpu.memory_space<semaphore_mem>>
        %dma_wait3A_816 = arith.constant 0 : i32
        %dma_wait3A_817 = tpu.memref_slice %arg4[%dma_wait3A_805, %mul3A_2, %dma_wait3A_816] : memref<50x4096x128xf32, #tpu.memory_space<hbm>> -> memref<1x64x128xf32, #tpu.memory_space<hbm>>
        %dma_wait3A_818 = tpu.memref_squeeze %dma_wait3A_817 : memref<1x64x128xf32, #tpu.memory_space<hbm>> -> memref<64x128xf32, #tpu.memory_space<hbm>>
        %dma_wait3A_819 = arith.constant 0 : i32
        %dma_wait3A_820 = arith.constant 0 : i32
        %dma_wait3A_821 = tpu.memref_slice %arg6[%dma_wait3A_804, %dma_wait3A_819, %dma_wait3A_820] : memref<10x64x128xf32, #tpu.memory_space<vmem>> -> memref<1x64x128xf32, #tpu.memory_space<vmem>>
        %dma_wait3A_822 = tpu.memref_squeeze %dma_wait3A_821 : memref<1x64x128xf32, #tpu.memory_space<vmem>> -> memref<64x128xf32, #tpu.memory_space<vmem>>
        tpu.wait_dma2 semaphore(%dma_wait3A_815 : memref<!tpu.dma_semaphore, #tpu.memory_space<semaphore_mem>>) src(%dma_wait3A_822 : memref<64x128xf32, #tpu.memory_space<vmem>>) dst(%dma_wait3A_818 : memref<64x128xf32, #tpu.memory_space<hbm>>)
      } else {
      }
      %dma_start3A_295 = arith.constant 4 : i32
      %dma_start3A_296 = arith.constant 4 : i32
      %dma_start3A_297 = arith.constant 0 : i32
      %dma_start3A_298 = arith.constant 0 : i32
      %dma_start3A_299 = tpu.memref_slice %arg6[%dma_start3A_295, %dma_start3A_297, %dma_start3A_298] : memref<10x64x128xf32, #tpu.memory_space<vmem>> -> memref<1x64x128xf32, #tpu.memory_space<vmem>>
      %dma_start3A_300 = tpu.memref_squeeze %dma_start3A_299 : memref<1x64x128xf32, #tpu.memory_space<vmem>> -> memref<64x128xf32, #tpu.memory_space<vmem>>
      %dma_start3A_301 = arith.constant 0 : i32
      %dma_start3A_302 = tpu.memref_slice %arg5[%add3A_289, %dma_start3A_301] : memref<50x128xi32, #tpu.memory_space<vmem>> -> memref<1x64xi32, #tpu.memory_space<vmem>>
      %dma_start3A_303 = tpu.memref_squeeze %dma_start3A_302 : memref<1x64xi32, #tpu.memory_space<vmem>> -> memref<64xi32, #tpu.memory_space<vmem>>
      %dma_start3A_304 = arith.constant 0 : i32
      %dma_start3A_305 = arith.constant 0 : i32
      %dma_start3A_306 = tpu.memref_slice %arg3[%dma_start3A_304, %dma_start3A_305] : memref<100000x128xf32, #tpu.memory_space<hbm>> -> memref<100000x128xf32, #tpu.memory_space<hbm>>
      %dma_start3A_307 = tpu.memref_slice %arg7[%dma_start3A_296] : memref<10x!tpu.dma_semaphore, #tpu.memory_space<semaphore_mem>> -> memref<1x!tpu.dma_semaphore, #tpu.memory_space<semaphore_mem>>
      %dma_start3A_308 = tpu.memref_squeeze %dma_start3A_307 : memref<1x!tpu.dma_semaphore, #tpu.memory_space<semaphore_mem>> -> memref<!tpu.dma_semaphore, #tpu.memory_space<semaphore_mem>>
      tpu.enqueue_indirect_dma source(%dma_start3A_306 : memref<100000x128xf32, #tpu.memory_space<hbm>>) target(%dma_start3A_300 : memref<64x128xf32, #tpu.memory_space<vmem>>) offsets(%dma_start3A_303 : memref<64xi32, #tpu.memory_space<vmem>>) semaphore(%dma_start3A_308 : memref<!tpu.dma_semaphore, #tpu.memory_space<semaphore_mem>>)
      %mul3A_309 = arith.constant 5 : i32
      %mul3A_310 = arith.muli %scan3A_197, %mul3A_309 : i32
      %add3A_311 = arith.constant 2 : i32
      %add3A_312 = arith.addi %mul3A_310, %add3A_311 : i32
      %gt3A_313 = arith.constant 0 : i32
      %gt3A_314 = arith.cmpi sgt, %scan3A_197, %gt3A_313 : i32
      %convert_element_type3A_315 = arith.extui %gt3A_314 : i1 to i32
      %cond3A_316 = arith.constant 0 : i32
      %cond3A_317 = arith.cmpi ne, %convert_element_type3A_315, %cond3A_316 : i32
      scf.if %cond3A_317 {
        %dma_wait3A_804 = arith.constant 5 : i32
        %dma_wait3A_805 = arith.constant 0 : i32
        %dma_wait3A_806 = arith.constant 5 : i32
        %dma_wait3A_807 = arith.constant 0 : i32
        %dma_wait3A_808 = arith.constant 0 : i32
        %dma_wait3A_809 = tpu.memref_slice %arg6[%dma_wait3A_804, %dma_wait3A_807, %dma_wait3A_808] : memref<10x64x128xf32, #tpu.memory_space<vmem>> -> memref<1x64x128xf32, #tpu.memory_space<vmem>>
        %dma_wait3A_810 = tpu.memref_squeeze %dma_wait3A_809 : memref<1x64x128xf32, #tpu.memory_space<vmem>> -> memref<64x128xf32, #tpu.memory_space<vmem>>
        %dma_wait3A_811 = arith.constant 0 : i32
        %dma_wait3A_812 = tpu.memref_slice %arg4[%dma_wait3A_805, %mul3A_2, %dma_wait3A_811] : memref<50x4096x128xf32, #tpu.memory_space<hbm>> -> memref<1x64x128xf32, #tpu.memory_space<hbm>>
        %dma_wait3A_813 = tpu.memref_squeeze %dma_wait3A_812 : memref<1x64x128xf32, #tpu.memory_space<hbm>> -> memref<64x128xf32, #tpu.memory_space<hbm>>
        %dma_wait3A_814 = tpu.memref_slice %arg8[%dma_wait3A_806] : memref<10x!tpu.dma_semaphore, #tpu.memory_space<semaphore_mem>> -> memref<1x!tpu.dma_semaphore, #tpu.memory_space<semaphore_mem>>
        %dma_wait3A_815 = tpu.memref_squeeze %dma_wait3A_814 : memref<1x!tpu.dma_semaphore, #tpu.memory_space<semaphore_mem>> -> memref<!tpu.dma_semaphore, #tpu.memory_space<semaphore_mem>>
        %dma_wait3A_816 = arith.constant 0 : i32
        %dma_wait3A_817 = tpu.memref_slice %arg4[%dma_wait3A_805, %mul3A_2, %dma_wait3A_816] : memref<50x4096x128xf32, #tpu.memory_space<hbm>> -> memref<1x64x128xf32, #tpu.memory_space<hbm>>
        %dma_wait3A_818 = tpu.memref_squeeze %dma_wait3A_817 : memref<1x64x128xf32, #tpu.memory_space<hbm>> -> memref<64x128xf32, #tpu.memory_space<hbm>>
        %dma_wait3A_819 = arith.constant 0 : i32
        %dma_wait3A_820 = arith.constant 0 : i32
        %dma_wait3A_821 = tpu.memref_slice %arg6[%dma_wait3A_804, %dma_wait3A_819, %dma_wait3A_820] : memref<10x64x128xf32, #tpu.memory_space<vmem>> -> memref<1x64x128xf32, #tpu.memory_space<vmem>>
        %dma_wait3A_822 = tpu.memref_squeeze %dma_wait3A_821 : memref<1x64x128xf32, #tpu.memory_space<vmem>> -> memref<64x128xf32, #tpu.memory_space<vmem>>
        tpu.wait_dma2 semaphore(%dma_wait3A_815 : memref<!tpu.dma_semaphore, #tpu.memory_space<semaphore_mem>>) src(%dma_wait3A_822 : memref<64x128xf32, #tpu.memory_space<vmem>>) dst(%dma_wait3A_818 : memref<64x128xf32, #tpu.memory_space<hbm>>)
      } else {
      }
      %dma_start3A_318 = arith.constant 5 : i32
      %dma_start3A_319 = arith.constant 5 : i32
      %dma_start3A_320 = arith.constant 0 : i32
      %dma_start3A_321 = arith.constant 0 : i32
      %dma_start3A_322 = tpu.memref_slice %arg6[%dma_start3A_318, %dma_start3A_320, %dma_start3A_321] : memref<10x64x128xf32, #tpu.memory_space<vmem>> -> memref<1x64x128xf32, #tpu.memory_space<vmem>>
      %dma_start3A_323 = tpu.memref_squeeze %dma_start3A_322 : memref<1x64x128xf32, #tpu.memory_space<vmem>> -> memref<64x128xf32, #tpu.memory_space<vmem>>
      %dma_start3A_324 = arith.constant 64 : i32
      %dma_start3A_325 = tpu.memref_slice %arg5[%add3A_312, %dma_start3A_324] : memref<50x128xi32, #tpu.memory_space<vmem>> -> memref<1x64xi32, #tpu.memory_space<vmem>>
      %dma_start3A_326 = tpu.memref_squeeze %dma_start3A_325 : memref<1x64xi32, #tpu.memory_space<vmem>> -> memref<64xi32, #tpu.memory_space<vmem>>
      %dma_start3A_327 = arith.constant 0 : i32
      %dma_start3A_328 = arith.constant 0 : i32
      %dma_start3A_329 = tpu.memref_slice %arg3[%dma_start3A_327, %dma_start3A_328] : memref<100000x128xf32, #tpu.memory_space<hbm>> -> memref<100000x128xf32, #tpu.memory_space<hbm>>
      %dma_start3A_330 = tpu.memref_slice %arg7[%dma_start3A_319] : memref<10x!tpu.dma_semaphore, #tpu.memory_space<semaphore_mem>> -> memref<1x!tpu.dma_semaphore, #tpu.memory_space<semaphore_mem>>
      %dma_start3A_331 = tpu.memref_squeeze %dma_start3A_330 : memref<1x!tpu.dma_semaphore, #tpu.memory_space<semaphore_mem>> -> memref<!tpu.dma_semaphore, #tpu.memory_space<semaphore_mem>>
      tpu.enqueue_indirect_dma source(%dma_start3A_329 : memref<100000x128xf32, #tpu.memory_space<hbm>>) target(%dma_start3A_323 : memref<64x128xf32, #tpu.memory_space<vmem>>) offsets(%dma_start3A_326 : memref<64xi32, #tpu.memory_space<vmem>>) semaphore(%dma_start3A_331 : memref<!tpu.dma_semaphore, #tpu.memory_space<semaphore_mem>>)
      %mul3A_332 = arith.constant 5 : i32
      %mul3A_333 = arith.muli %scan3A_197, %mul3A_332 : i32
      %add3A_334 = arith.constant 3 : i32
      %add3A_335 = arith.addi %mul3A_333, %add3A_334 : i32
      %gt3A_336 = arith.constant 0 : i32
      %gt3A_337 = arith.cmpi sgt, %scan3A_197, %gt3A_336 : i32
      %convert_element_type3A_338 = arith.extui %gt3A_337 : i1 to i32
      %cond3A_339 = arith.constant 0 : i32
      %cond3A_340 = arith.cmpi ne, %convert_element_type3A_338, %cond3A_339 : i32
      scf.if %cond3A_340 {
        %dma_wait3A_804 = arith.constant 6 : i32
        %dma_wait3A_805 = arith.constant 0 : i32
        %dma_wait3A_806 = arith.constant 6 : i32
        %dma_wait3A_807 = arith.constant 0 : i32
        %dma_wait3A_808 = arith.constant 0 : i32
        %dma_wait3A_809 = tpu.memref_slice %arg6[%dma_wait3A_804, %dma_wait3A_807, %dma_wait3A_808] : memref<10x64x128xf32, #tpu.memory_space<vmem>> -> memref<1x64x128xf32, #tpu.memory_space<vmem>>
        %dma_wait3A_810 = tpu.memref_squeeze %dma_wait3A_809 : memref<1x64x128xf32, #tpu.memory_space<vmem>> -> memref<64x128xf32, #tpu.memory_space<vmem>>
        %dma_wait3A_811 = arith.constant 0 : i32
        %dma_wait3A_812 = tpu.memref_slice %arg4[%dma_wait3A_805, %mul3A_2, %dma_wait3A_811] : memref<50x4096x128xf32, #tpu.memory_space<hbm>> -> memref<1x64x128xf32, #tpu.memory_space<hbm>>
        %dma_wait3A_813 = tpu.memref_squeeze %dma_wait3A_812 : memref<1x64x128xf32, #tpu.memory_space<hbm>> -> memref<64x128xf32, #tpu.memory_space<hbm>>
        %dma_wait3A_814 = tpu.memref_slice %arg8[%dma_wait3A_806] : memref<10x!tpu.dma_semaphore, #tpu.memory_space<semaphore_mem>> -> memref<1x!tpu.dma_semaphore, #tpu.memory_space<semaphore_mem>>
        %dma_wait3A_815 = tpu.memref_squeeze %dma_wait3A_814 : memref<1x!tpu.dma_semaphore, #tpu.memory_space<semaphore_mem>> -> memref<!tpu.dma_semaphore, #tpu.memory_space<semaphore_mem>>
        %dma_wait3A_816 = arith.constant 0 : i32
        %dma_wait3A_817 = tpu.memref_slice %arg4[%dma_wait3A_805, %mul3A_2, %dma_wait3A_816] : memref<50x4096x128xf32, #tpu.memory_space<hbm>> -> memref<1x64x128xf32, #tpu.memory_space<hbm>>
        %dma_wait3A_818 = tpu.memref_squeeze %dma_wait3A_817 : memref<1x64x128xf32, #tpu.memory_space<hbm>> -> memref<64x128xf32, #tpu.memory_space<hbm>>
        %dma_wait3A_819 = arith.constant 0 : i32
        %dma_wait3A_820 = arith.constant 0 : i32
        %dma_wait3A_821 = tpu.memref_slice %arg6[%dma_wait3A_804, %dma_wait3A_819, %dma_wait3A_820] : memref<10x64x128xf32, #tpu.memory_space<vmem>> -> memref<1x64x128xf32, #tpu.memory_space<vmem>>
        %dma_wait3A_822 = tpu.memref_squeeze %dma_wait3A_821 : memref<1x64x128xf32, #tpu.memory_space<vmem>> -> memref<64x128xf32, #tpu.memory_space<vmem>>
        tpu.wait_dma2 semaphore(%dma_wait3A_815 : memref<!tpu.dma_semaphore, #tpu.memory_space<semaphore_mem>>) src(%dma_wait3A_822 : memref<64x128xf32, #tpu.memory_space<vmem>>) dst(%dma_wait3A_818 : memref<64x128xf32, #tpu.memory_space<hbm>>)
      } else {
      }
      %dma_start3A_341 = arith.constant 6 : i32
      %dma_start3A_342 = arith.constant 6 : i32
      %dma_start3A_343 = arith.constant 0 : i32
      %dma_start3A_344 = arith.constant 0 : i32
      %dma_start3A_345 = tpu.memref_slice %arg6[%dma_start3A_341, %dma_start3A_343, %dma_start3A_344] : memref<10x64x128xf32, #tpu.memory_space<vmem>> -> memref<1x64x128xf32, #tpu.memory_space<vmem>>
      %dma_start3A_346 = tpu.memref_squeeze %dma_start3A_345 : memref<1x64x128xf32, #tpu.memory_space<vmem>> -> memref<64x128xf32, #tpu.memory_space<vmem>>
      %dma_start3A_347 = arith.constant 0 : i32
      %dma_start3A_348 = tpu.memref_slice %arg5[%add3A_335, %dma_start3A_347] : memref<50x128xi32, #tpu.memory_space<vmem>> -> memref<1x64xi32, #tpu.memory_space<vmem>>
      %dma_start3A_349 = tpu.memref_squeeze %dma_start3A_348 : memref<1x64xi32, #tpu.memory_space<vmem>> -> memref<64xi32, #tpu.memory_space<vmem>>
      %dma_start3A_350 = arith.constant 0 : i32
      %dma_start3A_351 = arith.constant 0 : i32
      %dma_start3A_352 = tpu.memref_slice %arg3[%dma_start3A_350, %dma_start3A_351] : memref<100000x128xf32, #tpu.memory_space<hbm>> -> memref<100000x128xf32, #tpu.memory_space<hbm>>
      %dma_start3A_353 = tpu.memref_slice %arg7[%dma_start3A_342] : memref<10x!tpu.dma_semaphore, #tpu.memory_space<semaphore_mem>> -> memref<1x!tpu.dma_semaphore, #tpu.memory_space<semaphore_mem>>
      %dma_start3A_354 = tpu.memref_squeeze %dma_start3A_353 : memref<1x!tpu.dma_semaphore, #tpu.memory_space<semaphore_mem>> -> memref<!tpu.dma_semaphore, #tpu.memory_space<semaphore_mem>>
      tpu.enqueue_indirect_dma source(%dma_start3A_352 : memref<100000x128xf32, #tpu.memory_space<hbm>>) target(%dma_start3A_346 : memref<64x128xf32, #tpu.memory_space<vmem>>) offsets(%dma_start3A_349 : memref<64xi32, #tpu.memory_space<vmem>>) semaphore(%dma_start3A_354 : memref<!tpu.dma_semaphore, #tpu.memory_space<semaphore_mem>>)
      %mul3A_355 = arith.constant 5 : i32
      %mul3A_356 = arith.muli %scan3A_197, %mul3A_355 : i32
      %add3A_357 = arith.constant 3 : i32
      %add3A_358 = arith.addi %mul3A_356, %add3A_357 : i32
      %gt3A_359 = arith.constant 0 : i32
      %gt3A_360 = arith.cmpi sgt, %scan3A_197, %gt3A_359 : i32
      %convert_element_type3A_361 = arith.extui %gt3A_360 : i1 to i32
      %cond3A_362 = arith.constant 0 : i32
      %cond3A_363 = arith.cmpi ne, %convert_element_type3A_361, %cond3A_362 : i32
      scf.if %cond3A_363 {
        %dma_wait3A_804 = arith.constant 7 : i32
        %dma_wait3A_805 = arith.constant 0 : i32
        %dma_wait3A_806 = arith.constant 7 : i32
        %dma_wait3A_807 = arith.constant 0 : i32
        %dma_wait3A_808 = arith.constant 0 : i32
        %dma_wait3A_809 = tpu.memref_slice %arg6[%dma_wait3A_804, %dma_wait3A_807, %dma_wait3A_808] : memref<10x64x128xf32, #tpu.memory_space<vmem>> -> memref<1x64x128xf32, #tpu.memory_space<vmem>>
        %dma_wait3A_810 = tpu.memref_squeeze %dma_wait3A_809 : memref<1x64x128xf32, #tpu.memory_space<vmem>> -> memref<64x128xf32, #tpu.memory_space<vmem>>
        %dma_wait3A_811 = arith.constant 0 : i32
        %dma_wait3A_812 = tpu.memref_slice %arg4[%dma_wait3A_805, %mul3A_2, %dma_wait3A_811] : memref<50x4096x128xf32, #tpu.memory_space<hbm>> -> memref<1x64x128xf32, #tpu.memory_space<hbm>>
        %dma_wait3A_813 = tpu.memref_squeeze %dma_wait3A_812 : memref<1x64x128xf32, #tpu.memory_space<hbm>> -> memref<64x128xf32, #tpu.memory_space<hbm>>
        %dma_wait3A_814 = tpu.memref_slice %arg8[%dma_wait3A_806] : memref<10x!tpu.dma_semaphore, #tpu.memory_space<semaphore_mem>> -> memref<1x!tpu.dma_semaphore, #tpu.memory_space<semaphore_mem>>
        %dma_wait3A_815 = tpu.memref_squeeze %dma_wait3A_814 : memref<1x!tpu.dma_semaphore, #tpu.memory_space<semaphore_mem>> -> memref<!tpu.dma_semaphore, #tpu.memory_space<semaphore_mem>>
        %dma_wait3A_816 = arith.constant 0 : i32
        %dma_wait3A_817 = tpu.memref_slice %arg4[%dma_wait3A_805, %mul3A_2, %dma_wait3A_816] : memref<50x4096x128xf32, #tpu.memory_space<hbm>> -> memref<1x64x128xf32, #tpu.memory_space<hbm>>
        %dma_wait3A_818 = tpu.memref_squeeze %dma_wait3A_817 : memref<1x64x128xf32, #tpu.memory_space<hbm>> -> memref<64x128xf32, #tpu.memory_space<hbm>>
        %dma_wait3A_819 = arith.constant 0 : i32
        %dma_wait3A_820 = arith.constant 0 : i32
        %dma_wait3A_821 = tpu.memref_slice %arg6[%dma_wait3A_804, %dma_wait3A_819, %dma_wait3A_820] : memref<10x64x128xf32, #tpu.memory_space<vmem>> -> memref<1x64x128xf32, #tpu.memory_space<vmem>>
        %dma_wait3A_822 = tpu.memref_squeeze %dma_wait3A_821 : memref<1x64x128xf32, #tpu.memory_space<vmem>> -> memref<64x128xf32, #tpu.memory_space<vmem>>
        tpu.wait_dma2 semaphore(%dma_wait3A_815 : memref<!tpu.dma_semaphore, #tpu.memory_space<semaphore_mem>>) src(%dma_wait3A_822 : memref<64x128xf32, #tpu.memory_space<vmem>>) dst(%dma_wait3A_818 : memref<64x128xf32, #tpu.memory_space<hbm>>)
      } else {
      }
      %dma_start3A_364 = arith.constant 7 : i32
      %dma_start3A_365 = arith.constant 7 : i32
      %dma_start3A_366 = arith.constant 0 : i32
      %dma_start3A_367 = arith.constant 0 : i32
      %dma_start3A_368 = tpu.memref_slice %arg6[%dma_start3A_364, %dma_start3A_366, %dma_start3A_367] : memref<10x64x128xf32, #tpu.memory_space<vmem>> -> memref<1x64x128xf32, #tpu.memory_space<vmem>>
      %dma_start3A_369 = tpu.memref_squeeze %dma_start3A_368 : memref<1x64x128xf32, #tpu.memory_space<vmem>> -> memref<64x128xf32, #tpu.memory_space<vmem>>
      %dma_start3A_370 = arith.constant 64 : i32
      %dma_start3A_371 = tpu.memref_slice %arg5[%add3A_358, %dma_start3A_370] : memref<50x128xi32, #tpu.memory_space<vmem>> -> memref<1x64xi32, #tpu.memory_space<vmem>>
      %dma_start3A_372 = tpu.memref_squeeze %dma_start3A_371 : memref<1x64xi32, #tpu.memory_space<vmem>> -> memref<64xi32, #tpu.memory_space<vmem>>
      %dma_start3A_373 = arith.constant 0 : i32
      %dma_start3A_374 = arith.constant 0 : i32
      %dma_start3A_375 = tpu.memref_slice %arg3[%dma_start3A_373, %dma_start3A_374] : memref<100000x128xf32, #tpu.memory_space<hbm>> -> memref<100000x128xf32, #tpu.memory_space<hbm>>
      %dma_start3A_376 = tpu.memref_slice %arg7[%dma_start3A_365] : memref<10x!tpu.dma_semaphore, #tpu.memory_space<semaphore_mem>> -> memref<1x!tpu.dma_semaphore, #tpu.memory_space<semaphore_mem>>
      %dma_start3A_377 = tpu.memref_squeeze %dma_start3A_376 : memref<1x!tpu.dma_semaphore, #tpu.memory_space<semaphore_mem>> -> memref<!tpu.dma_semaphore, #tpu.memory_space<semaphore_mem>>
      tpu.enqueue_indirect_dma source(%dma_start3A_375 : memref<100000x128xf32, #tpu.memory_space<hbm>>) target(%dma_start3A_369 : memref<64x128xf32, #tpu.memory_space<vmem>>) offsets(%dma_start3A_372 : memref<64xi32, #tpu.memory_space<vmem>>) semaphore(%dma_start3A_377 : memref<!tpu.dma_semaphore, #tpu.memory_space<semaphore_mem>>)
      %mul3A_378 = arith.constant 5 : i32
      %mul3A_379 = arith.muli %scan3A_197, %mul3A_378 : i32
      %add3A_380 = arith.constant 4 : i32
      %add3A_381 = arith.addi %mul3A_379, %add3A_380 : i32
      %gt3A_382 = arith.constant 0 : i32
      %gt3A_383 = arith.cmpi sgt, %scan3A_197, %gt3A_382 : i32
      %convert_element_type3A_384 = arith.extui %gt3A_383 : i1 to i32
      %cond3A_385 = arith.constant 0 : i32
      %cond3A_386 = arith.cmpi ne, %convert_element_type3A_384, %cond3A_385 : i32
      scf.if %cond3A_386 {
        %dma_wait3A_804 = arith.constant 8 : i32
        %dma_wait3A_805 = arith.constant 0 : i32
        %dma_wait3A_806 = arith.constant 8 : i32
        %dma_wait3A_807 = arith.constant 0 : i32
        %dma_wait3A_808 = arith.constant 0 : i32
        %dma_wait3A_809 = tpu.memref_slice %arg6[%dma_wait3A_804, %dma_wait3A_807, %dma_wait3A_808] : memref<10x64x128xf32, #tpu.memory_space<vmem>> -> memref<1x64x128xf32, #tpu.memory_space<vmem>>
        %dma_wait3A_810 = tpu.memref_squeeze %dma_wait3A_809 : memref<1x64x128xf32, #tpu.memory_space<vmem>> -> memref<64x128xf32, #tpu.memory_space<vmem>>
        %dma_wait3A_811 = arith.constant 0 : i32
        %dma_wait3A_812 = tpu.memref_slice %arg4[%dma_wait3A_805, %mul3A_2, %dma_wait3A_811] : memref<50x4096x128xf32, #tpu.memory_space<hbm>> -> memref<1x64x128xf32, #tpu.memory_space<hbm>>
        %dma_wait3A_813 = tpu.memref_squeeze %dma_wait3A_812 : memref<1x64x128xf32, #tpu.memory_space<hbm>> -> memref<64x128xf32, #tpu.memory_space<hbm>>
        %dma_wait3A_814 = tpu.memref_slice %arg8[%dma_wait3A_806] : memref<10x!tpu.dma_semaphore, #tpu.memory_space<semaphore_mem>> -> memref<1x!tpu.dma_semaphore, #tpu.memory_space<semaphore_mem>>
        %dma_wait3A_815 = tpu.memref_squeeze %dma_wait3A_814 : memref<1x!tpu.dma_semaphore, #tpu.memory_space<semaphore_mem>> -> memref<!tpu.dma_semaphore, #tpu.memory_space<semaphore_mem>>
        %dma_wait3A_816 = arith.constant 0 : i32
        %dma_wait3A_817 = tpu.memref_slice %arg4[%dma_wait3A_805, %mul3A_2, %dma_wait3A_816] : memref<50x4096x128xf32, #tpu.memory_space<hbm>> -> memref<1x64x128xf32, #tpu.memory_space<hbm>>
        %dma_wait3A_818 = tpu.memref_squeeze %dma_wait3A_817 : memref<1x64x128xf32, #tpu.memory_space<hbm>> -> memref<64x128xf32, #tpu.memory_space<hbm>>
        %dma_wait3A_819 = arith.constant 0 : i32
        %dma_wait3A_820 = arith.constant 0 : i32
        %dma_wait3A_821 = tpu.memref_slice %arg6[%dma_wait3A_804, %dma_wait3A_819, %dma_wait3A_820] : memref<10x64x128xf32, #tpu.memory_space<vmem>> -> memref<1x64x128xf32, #tpu.memory_space<vmem>>
        %dma_wait3A_822 = tpu.memref_squeeze %dma_wait3A_821 : memref<1x64x128xf32, #tpu.memory_space<vmem>> -> memref<64x128xf32, #tpu.memory_space<vmem>>
        tpu.wait_dma2 semaphore(%dma_wait3A_815 : memref<!tpu.dma_semaphore, #tpu.memory_space<semaphore_mem>>) src(%dma_wait3A_822 : memref<64x128xf32, #tpu.memory_space<vmem>>) dst(%dma_wait3A_818 : memref<64x128xf32, #tpu.memory_space<hbm>>)
      } else {
      }
      %dma_start3A_387 = arith.constant 8 : i32
      %dma_start3A_388 = arith.constant 8 : i32
      %dma_start3A_389 = arith.constant 0 : i32
      %dma_start3A_390 = arith.constant 0 : i32
      %dma_start3A_391 = tpu.memref_slice %arg6[%dma_start3A_387, %dma_start3A_389, %dma_start3A_390] : memref<10x64x128xf32, #tpu.memory_space<vmem>> -> memref<1x64x128xf32, #tpu.memory_space<vmem>>
      %dma_start3A_392 = tpu.memref_squeeze %dma_start3A_391 : memref<1x64x128xf32, #tpu.memory_space<vmem>> -> memref<64x128xf32, #tpu.memory_space<vmem>>
      %dma_start3A_393 = arith.constant 0 : i32
      %dma_start3A_394 = tpu.memref_slice %arg5[%add3A_381, %dma_start3A_393] : memref<50x128xi32, #tpu.memory_space<vmem>> -> memref<1x64xi32, #tpu.memory_space<vmem>>
      %dma_start3A_395 = tpu.memref_squeeze %dma_start3A_394 : memref<1x64xi32, #tpu.memory_space<vmem>> -> memref<64xi32, #tpu.memory_space<vmem>>
      %dma_start3A_396 = arith.constant 0 : i32
      %dma_start3A_397 = arith.constant 0 : i32
      %dma_start3A_398 = tpu.memref_slice %arg3[%dma_start3A_396, %dma_start3A_397] : memref<100000x128xf32, #tpu.memory_space<hbm>> -> memref<100000x128xf32, #tpu.memory_space<hbm>>
      %dma_start3A_399 = tpu.memref_slice %arg7[%dma_start3A_388] : memref<10x!tpu.dma_semaphore, #tpu.memory_space<semaphore_mem>> -> memref<1x!tpu.dma_semaphore, #tpu.memory_space<semaphore_mem>>
      %dma_start3A_400 = tpu.memref_squeeze %dma_start3A_399 : memref<1x!tpu.dma_semaphore, #tpu.memory_space<semaphore_mem>> -> memref<!tpu.dma_semaphore, #tpu.memory_space<semaphore_mem>>
      tpu.enqueue_indirect_dma source(%dma_start3A_398 : memref<100000x128xf32, #tpu.memory_space<hbm>>) target(%dma_start3A_392 : memref<64x128xf32, #tpu.memory_space<vmem>>) offsets(%dma_start3A_395 : memref<64xi32, #tpu.memory_space<vmem>>) semaphore(%dma_start3A_400 : memref<!tpu.dma_semaphore, #tpu.memory_space<semaphore_mem>>)
      %mul3A_401 = arith.constant 5 : i32
      %mul3A_402 = arith.muli %scan3A_197, %mul3A_401 : i32
      %add3A_403 = arith.constant 4 : i32
      %add3A_404 = arith.addi %mul3A_402, %add3A_403 : i32
      %gt3A_405 = arith.constant 0 : i32
      %gt3A_406 = arith.cmpi sgt, %scan3A_197, %gt3A_405 : i32
      %convert_element_type3A_407 = arith.extui %gt3A_406 : i1 to i32
      %cond3A_408 = arith.constant 0 : i32
      %cond3A_409 = arith.cmpi ne, %convert_element_type3A_407, %cond3A_408 : i32
      scf.if %cond3A_409 {
        %dma_wait3A_804 = arith.constant 9 : i32
        %dma_wait3A_805 = arith.constant 0 : i32
        %dma_wait3A_806 = arith.constant 9 : i32
        %dma_wait3A_807 = arith.constant 0 : i32
        %dma_wait3A_808 = arith.constant 0 : i32
        %dma_wait3A_809 = tpu.memref_slice %arg6[%dma_wait3A_804, %dma_wait3A_807, %dma_wait3A_808] : memref<10x64x128xf32, #tpu.memory_space<vmem>> -> memref<1x64x128xf32, #tpu.memory_space<vmem>>
        %dma_wait3A_810 = tpu.memref_squeeze %dma_wait3A_809 : memref<1x64x128xf32, #tpu.memory_space<vmem>> -> memref<64x128xf32, #tpu.memory_space<vmem>>
        %dma_wait3A_811 = arith.constant 0 : i32
        %dma_wait3A_812 = tpu.memref_slice %arg4[%dma_wait3A_805, %mul3A_2, %dma_wait3A_811] : memref<50x4096x128xf32, #tpu.memory_space<hbm>> -> memref<1x64x128xf32, #tpu.memory_space<hbm>>
        %dma_wait3A_813 = tpu.memref_squeeze %dma_wait3A_812 : memref<1x64x128xf32, #tpu.memory_space<hbm>> -> memref<64x128xf32, #tpu.memory_space<hbm>>
        %dma_wait3A_814 = tpu.memref_slice %arg8[%dma_wait3A_806] : memref<10x!tpu.dma_semaphore, #tpu.memory_space<semaphore_mem>> -> memref<1x!tpu.dma_semaphore, #tpu.memory_space<semaphore_mem>>
        %dma_wait3A_815 = tpu.memref_squeeze %dma_wait3A_814 : memref<1x!tpu.dma_semaphore, #tpu.memory_space<semaphore_mem>> -> memref<!tpu.dma_semaphore, #tpu.memory_space<semaphore_mem>>
        %dma_wait3A_816 = arith.constant 0 : i32
        %dma_wait3A_817 = tpu.memref_slice %arg4[%dma_wait3A_805, %mul3A_2, %dma_wait3A_816] : memref<50x4096x128xf32, #tpu.memory_space<hbm>> -> memref<1x64x128xf32, #tpu.memory_space<hbm>>
        %dma_wait3A_818 = tpu.memref_squeeze %dma_wait3A_817 : memref<1x64x128xf32, #tpu.memory_space<hbm>> -> memref<64x128xf32, #tpu.memory_space<hbm>>
        %dma_wait3A_819 = arith.constant 0 : i32
        %dma_wait3A_820 = arith.constant 0 : i32
        %dma_wait3A_821 = tpu.memref_slice %arg6[%dma_wait3A_804, %dma_wait3A_819, %dma_wait3A_820] : memref<10x64x128xf32, #tpu.memory_space<vmem>> -> memref<1x64x128xf32, #tpu.memory_space<vmem>>
        %dma_wait3A_822 = tpu.memref_squeeze %dma_wait3A_821 : memref<1x64x128xf32, #tpu.memory_space<vmem>> -> memref<64x128xf32, #tpu.memory_space<vmem>>
        tpu.wait_dma2 semaphore(%dma_wait3A_815 : memref<!tpu.dma_semaphore, #tpu.memory_space<semaphore_mem>>) src(%dma_wait3A_822 : memref<64x128xf32, #tpu.memory_space<vmem>>) dst(%dma_wait3A_818 : memref<64x128xf32, #tpu.memory_space<hbm>>)
      } else {
      }
      %dma_start3A_410 = arith.constant 9 : i32
      %dma_start3A_411 = arith.constant 9 : i32
      %dma_start3A_412 = arith.constant 0 : i32
      %dma_start3A_413 = arith.constant 0 : i32
      %dma_start3A_414 = tpu.memref_slice %arg6[%dma_start3A_410, %dma_start3A_412, %dma_start3A_413] : memref<10x64x128xf32, #tpu.memory_space<vmem>> -> memref<1x64x128xf32, #tpu.memory_space<vmem>>
      %dma_start3A_415 = tpu.memref_squeeze %dma_start3A_414 : memref<1x64x128xf32, #tpu.memory_space<vmem>> -> memref<64x128xf32, #tpu.memory_space<vmem>>
      %dma_start3A_416 = arith.constant 64 : i32
      %dma_start3A_417 = tpu.memref_slice %arg5[%add3A_404, %dma_start3A_416] : memref<50x128xi32, #tpu.memory_space<vmem>> -> memref<1x64xi32, #tpu.memory_space<vmem>>
      %dma_start3A_418 = tpu.memref_squeeze %dma_start3A_417 : memref<1x64xi32, #tpu.memory_space<vmem>> -> memref<64xi32, #tpu.memory_space<vmem>>
      %dma_start3A_419 = arith.constant 0 : i32
      %dma_start3A_420 = arith.constant 0 : i32
      %dma_start3A_421 = tpu.memref_slice %arg3[%dma_start3A_419, %dma_start3A_420] : memref<100000x128xf32, #tpu.memory_space<hbm>> -> memref<100000x128xf32, #tpu.memory_space<hbm>>
      %dma_start3A_422 = tpu.memref_slice %arg7[%dma_start3A_411] : memref<10x!tpu.dma_semaphore, #tpu.memory_space<semaphore_mem>> -> memref<1x!tpu.dma_semaphore, #tpu.memory_space<semaphore_mem>>
      %dma_start3A_423 = tpu.memref_squeeze %dma_start3A_422 : memref<1x!tpu.dma_semaphore, #tpu.memory_space<semaphore_mem>> -> memref<!tpu.dma_semaphore, #tpu.memory_space<semaphore_mem>>
      tpu.enqueue_indirect_dma source(%dma_start3A_421 : memref<100000x128xf32, #tpu.memory_space<hbm>>) target(%dma_start3A_415 : memref<64x128xf32, #tpu.memory_space<vmem>>) offsets(%dma_start3A_418 : memref<64xi32, #tpu.memory_space<vmem>>) semaphore(%dma_start3A_423 : memref<!tpu.dma_semaphore, #tpu.memory_space<semaphore_mem>>)
      %mul3A_424 = arith.constant 5 : i32
      %mul3A_425 = arith.muli %scan3A_197, %mul3A_424 : i32
      %add3A_426 = arith.constant 0 : i32
      %add3A_427 = arith.addi %mul3A_425, %add3A_426 : i32
      %dma_wait3A_428 = arith.constant 0 : i32
      %dma_wait3A_429 = arith.constant 0 : i32
      %dma_wait3A_430 = arith.constant 0 : i32
      %dma_wait3A_431 = arith.constant 0 : i32
      %dma_wait3A_432 = tpu.memref_slice %arg6[%dma_wait3A_428, %dma_wait3A_430, %dma_wait3A_431] : memref<10x64x128xf32, #tpu.memory_space<vmem>> -> memref<1x64x128xf32, #tpu.memory_space<vmem>>
      %dma_wait3A_433 = tpu.memref_squeeze %dma_wait3A_432 : memref<1x64x128xf32, #tpu.memory_space<vmem>> -> memref<64x128xf32, #tpu.memory_space<vmem>>
      %dma_wait3A_434 = arith.constant 0 : i32
      %dma_wait3A_435 = tpu.memref_slice %arg5[%add3A_427, %dma_wait3A_434] : memref<50x128xi32, #tpu.memory_space<vmem>> -> memref<1x64xi32, #tpu.memory_space<vmem>>
      %dma_wait3A_436 = tpu.memref_squeeze %dma_wait3A_435 : memref<1x64xi32, #tpu.memory_space<vmem>> -> memref<64xi32, #tpu.memory_space<vmem>>
      %dma_wait3A_437 = arith.constant 0 : i32
      %dma_wait3A_438 = arith.constant 0 : i32
      %dma_wait3A_439 = tpu.memref_slice %arg3[%dma_wait3A_437, %dma_wait3A_438] : memref<100000x128xf32, #tpu.memory_space<hbm>> -> memref<100000x128xf32, #tpu.memory_space<hbm>>
      %dma_wait3A_440 = tpu.memref_slice %arg7[%dma_wait3A_429] : memref<10x!tpu.dma_semaphore, #tpu.memory_space<semaphore_mem>> -> memref<1x!tpu.dma_semaphore, #tpu.memory_space<semaphore_mem>>
      %dma_wait3A_441 = tpu.memref_squeeze %dma_wait3A_440 : memref<1x!tpu.dma_semaphore, #tpu.memory_space<semaphore_mem>> -> memref<!tpu.dma_semaphore, #tpu.memory_space<semaphore_mem>>
      tpu.wait_indirect_dma semaphore(%dma_wait3A_441 : memref<!tpu.dma_semaphore, #tpu.memory_space<semaphore_mem>>) src(%dma_wait3A_439 : memref<100000x128xf32, #tpu.memory_space<hbm>>) dst(%dma_wait3A_433 : memref<64x128xf32, #tpu.memory_space<vmem>>)
      %add3A_442 = arith.constant 0 : i32
      %add3A_443 = arith.addi %mul3A_2, %add3A_442 : i32
      %dma_start3A_444 = arith.constant 0 : i32
      %dma_start3A_445 = arith.constant 0 : i32
      %dma_start3A_446 = arith.constant 0 : i32
      %dma_start3A_447 = arith.constant 0 : i32
      %dma_start3A_448 = tpu.memref_slice %arg6[%dma_start3A_444, %dma_start3A_446, %dma_start3A_447] : memref<10x64x128xf32, #tpu.memory_space<vmem>> -> memref<1x64x128xf32, #tpu.memory_space<vmem>>
      %dma_start3A_449 = tpu.memref_squeeze %dma_start3A_448 : memref<1x64x128xf32, #tpu.memory_space<vmem>> -> memref<64x128xf32, #tpu.memory_space<vmem>>
      %dma_start3A_450 = arith.constant 0 : i32
      %dma_start3A_451 = tpu.memref_slice %arg4[%add3A_427, %add3A_443, %dma_start3A_450] : memref<50x4096x128xf32, #tpu.memory_space<hbm>> -> memref<1x64x128xf32, #tpu.memory_space<hbm>>
      %dma_start3A_452 = tpu.memref_squeeze %dma_start3A_451 : memref<1x64x128xf32, #tpu.memory_space<hbm>> -> memref<64x128xf32, #tpu.memory_space<hbm>>
      %dma_start3A_453 = tpu.memref_slice %arg8[%dma_start3A_445] : memref<10x!tpu.dma_semaphore, #tpu.memory_space<semaphore_mem>> -> memref<1x!tpu.dma_semaphore, #tpu.memory_space<semaphore_mem>>
      %dma_start3A_454 = tpu.memref_squeeze %dma_start3A_453 : memref<1x!tpu.dma_semaphore, #tpu.memory_space<semaphore_mem>> -> memref<!tpu.dma_semaphore, #tpu.memory_space<semaphore_mem>>
      %dma_start3A_455 = arith.constant 0 : i32
      %dma_start3A_456 = tpu.memref_slice %arg4[%add3A_427, %add3A_443, %dma_start3A_455] : memref<50x4096x128xf32, #tpu.memory_space<hbm>> -> memref<1x64x128xf32, #tpu.memory_space<hbm>>
      %dma_start3A_457 = tpu.memref_squeeze %dma_start3A_456 : memref<1x64x128xf32, #tpu.memory_space<hbm>> -> memref<64x128xf32, #tpu.memory_space<hbm>>
      %dma_start3A_458 = arith.constant 0 : i32
      %dma_start3A_459 = arith.constant 0 : i32
      %dma_start3A_460 = tpu.memref_slice %arg6[%dma_start3A_444, %dma_start3A_458, %dma_start3A_459] : memref<10x64x128xf32, #tpu.memory_space<vmem>> -> memref<1x64x128xf32, #tpu.memory_space<vmem>>
      %dma_start3A_461 = tpu.memref_squeeze %dma_start3A_460 : memref<1x64x128xf32, #tpu.memory_space<vmem>> -> memref<64x128xf32, #tpu.memory_space<vmem>>
      tpu.enqueue_dma source(%dma_start3A_461 : memref<64x128xf32, #tpu.memory_space<vmem>>) target(%dma_start3A_457 : memref<64x128xf32, #tpu.memory_space<hbm>>) target_semaphore(%dma_start3A_454 : memref<!tpu.dma_semaphore, #tpu.memory_space<semaphore_mem>>)
      %mul3A_462 = arith.constant 5 : i32
      %mul3A_463 = arith.muli %scan3A_197, %mul3A_462 : i32
      %add3A_464 = arith.constant 0 : i32
      %add3A_465 = arith.addi %mul3A_463, %add3A_464 : i32
      %dma_wait3A_466 = arith.constant 1 : i32
      %dma_wait3A_467 = arith.constant 1 : i32
      %dma_wait3A_468 = arith.constant 0 : i32
      %dma_wait3A_469 = arith.constant 0 : i32
      %dma_wait3A_470 = tpu.memref_slice %arg6[%dma_wait3A_466, %dma_wait3A_468, %dma_wait3A_469] : memref<10x64x128xf32, #tpu.memory_space<vmem>> -> memref<1x64x128xf32, #tpu.memory_space<vmem>>
      %dma_wait3A_471 = tpu.memref_squeeze %dma_wait3A_470 : memref<1x64x128xf32, #tpu.memory_space<vmem>> -> memref<64x128xf32, #tpu.memory_space<vmem>>
      %dma_wait3A_472 = arith.constant 64 : i32
      %dma_wait3A_473 = tpu.memref_slice %arg5[%add3A_465, %dma_wait3A_472] : memref<50x128xi32, #tpu.memory_space<vmem>> -> memref<1x64xi32, #tpu.memory_space<vmem>>
      %dma_wait3A_474 = tpu.memref_squeeze %dma_wait3A_473 : memref<1x64xi32, #tpu.memory_space<vmem>> -> memref<64xi32, #tpu.memory_space<vmem>>
      %dma_wait3A_475 = arith.constant 0 : i32
      %dma_wait3A_476 = arith.constant 0 : i32
      %dma_wait3A_477 = tpu.memref_slice %arg3[%dma_wait3A_475, %dma_wait3A_476] : memref<100000x128xf32, #tpu.memory_space<hbm>> -> memref<100000x128xf32, #tpu.memory_space<hbm>>
      %dma_wait3A_478 = tpu.memref_slice %arg7[%dma_wait3A_467] : memref<10x!tpu.dma_semaphore, #tpu.memory_space<semaphore_mem>> -> memref<1x!tpu.dma_semaphore, #tpu.memory_space<semaphore_mem>>
      %dma_wait3A_479 = tpu.memref_squeeze %dma_wait3A_478 : memref<1x!tpu.dma_semaphore, #tpu.memory_space<semaphore_mem>> -> memref<!tpu.dma_semaphore, #tpu.memory_space<semaphore_mem>>
      tpu.wait_indirect_dma semaphore(%dma_wait3A_479 : memref<!tpu.dma_semaphore, #tpu.memory_space<semaphore_mem>>) src(%dma_wait3A_477 : memref<100000x128xf32, #tpu.memory_space<hbm>>) dst(%dma_wait3A_471 : memref<64x128xf32, #tpu.memory_space<vmem>>)
      %add3A_480 = arith.constant 64 : i32
      %add3A_481 = arith.addi %mul3A_2, %add3A_480 : i32
      %dma_start3A_482 = arith.constant 1 : i32
      %dma_start3A_483 = arith.constant 1 : i32
      %dma_start3A_484 = arith.constant 0 : i32
      %dma_start3A_485 = arith.constant 0 : i32
      %dma_start3A_486 = tpu.memref_slice %arg6[%dma_start3A_482, %dma_start3A_484, %dma_start3A_485] : memref<10x64x128xf32, #tpu.memory_space<vmem>> -> memref<1x64x128xf32, #tpu.memory_space<vmem>>
      %dma_start3A_487 = tpu.memref_squeeze %dma_start3A_486 : memref<1x64x128xf32, #tpu.memory_space<vmem>> -> memref<64x128xf32, #tpu.memory_space<vmem>>
      %dma_start3A_488 = arith.constant 0 : i32
      %dma_start3A_489 = tpu.memref_slice %arg4[%add3A_465, %add3A_481, %dma_start3A_488] : memref<50x4096x128xf32, #tpu.memory_space<hbm>> -> memref<1x64x128xf32, #tpu.memory_space<hbm>>
      %dma_start3A_490 = tpu.memref_squeeze %dma_start3A_489 : memref<1x64x128xf32, #tpu.memory_space<hbm>> -> memref<64x128xf32, #tpu.memory_space<hbm>>
      %dma_start3A_491 = tpu.memref_slice %arg8[%dma_start3A_483] : memref<10x!tpu.dma_semaphore, #tpu.memory_space<semaphore_mem>> -> memref<1x!tpu.dma_semaphore, #tpu.memory_space<semaphore_mem>>
      %dma_start3A_492 = tpu.memref_squeeze %dma_start3A_491 : memref<1x!tpu.dma_semaphore, #tpu.memory_space<semaphore_mem>> -> memref<!tpu.dma_semaphore, #tpu.memory_space<semaphore_mem>>
      %dma_start3A_493 = arith.constant 0 : i32
      %dma_start3A_494 = tpu.memref_slice %arg4[%add3A_465, %add3A_481, %dma_start3A_493] : memref<50x4096x128xf32, #tpu.memory_space<hbm>> -> memref<1x64x128xf32, #tpu.memory_space<hbm>>
      %dma_start3A_495 = tpu.memref_squeeze %dma_start3A_494 : memref<1x64x128xf32, #tpu.memory_space<hbm>> -> memref<64x128xf32, #tpu.memory_space<hbm>>
      %dma_start3A_496 = arith.constant 0 : i32
      %dma_start3A_497 = arith.constant 0 : i32
      %dma_start3A_498 = tpu.memref_slice %arg6[%dma_start3A_482, %dma_start3A_496, %dma_start3A_497] : memref<10x64x128xf32, #tpu.memory_space<vmem>> -> memref<1x64x128xf32, #tpu.memory_space<vmem>>
      %dma_start3A_499 = tpu.memref_squeeze %dma_start3A_498 : memref<1x64x128xf32, #tpu.memory_space<vmem>> -> memref<64x128xf32, #tpu.memory_space<vmem>>
      tpu.enqueue_dma source(%dma_start3A_499 : memref<64x128xf32, #tpu.memory_space<vmem>>) target(%dma_start3A_495 : memref<64x128xf32, #tpu.memory_space<hbm>>) target_semaphore(%dma_start3A_492 : memref<!tpu.dma_semaphore, #tpu.memory_space<semaphore_mem>>)
      %mul3A_500 = arith.constant 5 : i32
      %mul3A_501 = arith.muli %scan3A_197, %mul3A_500 : i32
      %add3A_502 = arith.constant 1 : i32
      %add3A_503 = arith.addi %mul3A_501, %add3A_502 : i32
      %dma_wait3A_504 = arith.constant 2 : i32
      %dma_wait3A_505 = arith.constant 2 : i32
      %dma_wait3A_506 = arith.constant 0 : i32
      %dma_wait3A_507 = arith.constant 0 : i32
      %dma_wait3A_508 = tpu.memref_slice %arg6[%dma_wait3A_504, %dma_wait3A_506, %dma_wait3A_507] : memref<10x64x128xf32, #tpu.memory_space<vmem>> -> memref<1x64x128xf32, #tpu.memory_space<vmem>>
      %dma_wait3A_509 = tpu.memref_squeeze %dma_wait3A_508 : memref<1x64x128xf32, #tpu.memory_space<vmem>> -> memref<64x128xf32, #tpu.memory_space<vmem>>
      %dma_wait3A_510 = arith.constant 0 : i32
      %dma_wait3A_511 = tpu.memref_slice %arg5[%add3A_503, %dma_wait3A_510] : memref<50x128xi32, #tpu.memory_space<vmem>> -> memref<1x64xi32, #tpu.memory_space<vmem>>
      %dma_wait3A_512 = tpu.memref_squeeze %dma_wait3A_511 : memref<1x64xi32, #tpu.memory_space<vmem>> -> memref<64xi32, #tpu.memory_space<vmem>>
      %dma_wait3A_513 = arith.constant 0 : i32
      %dma_wait3A_514 = arith.constant 0 : i32
      %dma_wait3A_515 = tpu.memref_slice %arg3[%dma_wait3A_513, %dma_wait3A_514] : memref<100000x128xf32, #tpu.memory_space<hbm>> -> memref<100000x128xf32, #tpu.memory_space<hbm>>
      %dma_wait3A_516 = tpu.memref_slice %arg7[%dma_wait3A_505] : memref<10x!tpu.dma_semaphore, #tpu.memory_space<semaphore_mem>> -> memref<1x!tpu.dma_semaphore, #tpu.memory_space<semaphore_mem>>
      %dma_wait3A_517 = tpu.memref_squeeze %dma_wait3A_516 : memref<1x!tpu.dma_semaphore, #tpu.memory_space<semaphore_mem>> -> memref<!tpu.dma_semaphore, #tpu.memory_space<semaphore_mem>>
      tpu.wait_indirect_dma semaphore(%dma_wait3A_517 : memref<!tpu.dma_semaphore, #tpu.memory_space<semaphore_mem>>) src(%dma_wait3A_515 : memref<100000x128xf32, #tpu.memory_space<hbm>>) dst(%dma_wait3A_509 : memref<64x128xf32, #tpu.memory_space<vmem>>)
      %add3A_518 = arith.constant 0 : i32
      %add3A_519 = arith.addi %mul3A_2, %add3A_518 : i32
      %dma_start3A_520 = arith.constant 2 : i32
      %dma_start3A_521 = arith.constant 2 : i32
      %dma_start3A_522 = arith.constant 0 : i32
      %dma_start3A_523 = arith.constant 0 : i32
      %dma_start3A_524 = tpu.memref_slice %arg6[%dma_start3A_520, %dma_start3A_522, %dma_start3A_523] : memref<10x64x128xf32, #tpu.memory_space<vmem>> -> memref<1x64x128xf32, #tpu.memory_space<vmem>>
      %dma_start3A_525 = tpu.memref_squeeze %dma_start3A_524 : memref<1x64x128xf32, #tpu.memory_space<vmem>> -> memref<64x128xf32, #tpu.memory_space<vmem>>
      %dma_start3A_526 = arith.constant 0 : i32
      %dma_start3A_527 = tpu.memref_slice %arg4[%add3A_503, %add3A_519, %dma_start3A_526] : memref<50x4096x128xf32, #tpu.memory_space<hbm>> -> memref<1x64x128xf32, #tpu.memory_space<hbm>>
      %dma_start3A_528 = tpu.memref_squeeze %dma_start3A_527 : memref<1x64x128xf32, #tpu.memory_space<hbm>> -> memref<64x128xf32, #tpu.memory_space<hbm>>
      %dma_start3A_529 = tpu.memref_slice %arg8[%dma_start3A_521] : memref<10x!tpu.dma_semaphore, #tpu.memory_space<semaphore_mem>> -> memref<1x!tpu.dma_semaphore, #tpu.memory_space<semaphore_mem>>
      %dma_start3A_530 = tpu.memref_squeeze %dma_start3A_529 : memref<1x!tpu.dma_semaphore, #tpu.memory_space<semaphore_mem>> -> memref<!tpu.dma_semaphore, #tpu.memory_space<semaphore_mem>>
      %dma_start3A_531 = arith.constant 0 : i32
      %dma_start3A_532 = tpu.memref_slice %arg4[%add3A_503, %add3A_519, %dma_start3A_531] : memref<50x4096x128xf32, #tpu.memory_space<hbm>> -> memref<1x64x128xf32, #tpu.memory_space<hbm>>
      %dma_start3A_533 = tpu.memref_squeeze %dma_start3A_532 : memref<1x64x128xf32, #tpu.memory_space<hbm>> -> memref<64x128xf32, #tpu.memory_space<hbm>>
      %dma_start3A_534 = arith.constant 0 : i32
      %dma_start3A_535 = arith.constant 0 : i32
      %dma_start3A_536 = tpu.memref_slice %arg6[%dma_start3A_520, %dma_start3A_534, %dma_start3A_535] : memref<10x64x128xf32, #tpu.memory_space<vmem>> -> memref<1x64x128xf32, #tpu.memory_space<vmem>>
      %dma_start3A_537 = tpu.memref_squeeze %dma_start3A_536 : memref<1x64x128xf32, #tpu.memory_space<vmem>> -> memref<64x128xf32, #tpu.memory_space<vmem>>
      tpu.enqueue_dma source(%dma_start3A_537 : memref<64x128xf32, #tpu.memory_space<vmem>>) target(%dma_start3A_533 : memref<64x128xf32, #tpu.memory_space<hbm>>) target_semaphore(%dma_start3A_530 : memref<!tpu.dma_semaphore, #tpu.memory_space<semaphore_mem>>)
      %mul3A_538 = arith.constant 5 : i32
      %mul3A_539 = arith.muli %scan3A_197, %mul3A_538 : i32
      %add3A_540 = arith.constant 1 : i32
      %add3A_541 = arith.addi %mul3A_539, %add3A_540 : i32
      %dma_wait3A_542 = arith.constant 3 : i32
      %dma_wait3A_543 = arith.constant 3 : i32
      %dma_wait3A_544 = arith.constant 0 : i32
      %dma_wait3A_545 = arith.constant 0 : i32
      %dma_wait3A_546 = tpu.memref_slice %arg6[%dma_wait3A_542, %dma_wait3A_544, %dma_wait3A_545] : memref<10x64x128xf32, #tpu.memory_space<vmem>> -> memref<1x64x128xf32, #tpu.memory_space<vmem>>
      %dma_wait3A_547 = tpu.memref_squeeze %dma_wait3A_546 : memref<1x64x128xf32, #tpu.memory_space<vmem>> -> memref<64x128xf32, #tpu.memory_space<vmem>>
      %dma_wait3A_548 = arith.constant 64 : i32
      %dma_wait3A_549 = tpu.memref_slice %arg5[%add3A_541, %dma_wait3A_548] : memref<50x128xi32, #tpu.memory_space<vmem>> -> memref<1x64xi32, #tpu.memory_space<vmem>>
      %dma_wait3A_550 = tpu.memref_squeeze %dma_wait3A_549 : memref<1x64xi32, #tpu.memory_space<vmem>> -> memref<64xi32, #tpu.memory_space<vmem>>
      %dma_wait3A_551 = arith.constant 0 : i32
      %dma_wait3A_552 = arith.constant 0 : i32
      %dma_wait3A_553 = tpu.memref_slice %arg3[%dma_wait3A_551, %dma_wait3A_552] : memref<100000x128xf32, #tpu.memory_space<hbm>> -> memref<100000x128xf32, #tpu.memory_space<hbm>>
      %dma_wait3A_554 = tpu.memref_slice %arg7[%dma_wait3A_543] : memref<10x!tpu.dma_semaphore, #tpu.memory_space<semaphore_mem>> -> memref<1x!tpu.dma_semaphore, #tpu.memory_space<semaphore_mem>>
      %dma_wait3A_555 = tpu.memref_squeeze %dma_wait3A_554 : memref<1x!tpu.dma_semaphore, #tpu.memory_space<semaphore_mem>> -> memref<!tpu.dma_semaphore, #tpu.memory_space<semaphore_mem>>
      tpu.wait_indirect_dma semaphore(%dma_wait3A_555 : memref<!tpu.dma_semaphore, #tpu.memory_space<semaphore_mem>>) src(%dma_wait3A_553 : memref<100000x128xf32, #tpu.memory_space<hbm>>) dst(%dma_wait3A_547 : memref<64x128xf32, #tpu.memory_space<vmem>>)
      %add3A_556 = arith.constant 64 : i32
      %add3A_557 = arith.addi %mul3A_2, %add3A_556 : i32
      %dma_start3A_558 = arith.constant 3 : i32
      %dma_start3A_559 = arith.constant 3 : i32
      %dma_start3A_560 = arith.constant 0 : i32
      %dma_start3A_561 = arith.constant 0 : i32
      %dma_start3A_562 = tpu.memref_slice %arg6[%dma_start3A_558, %dma_start3A_560, %dma_start3A_561] : memref<10x64x128xf32, #tpu.memory_space<vmem>> -> memref<1x64x128xf32, #tpu.memory_space<vmem>>
      %dma_start3A_563 = tpu.memref_squeeze %dma_start3A_562 : memref<1x64x128xf32, #tpu.memory_space<vmem>> -> memref<64x128xf32, #tpu.memory_space<vmem>>
      %dma_start3A_564 = arith.constant 0 : i32
      %dma_start3A_565 = tpu.memref_slice %arg4[%add3A_541, %add3A_557, %dma_start3A_564] : memref<50x4096x128xf32, #tpu.memory_space<hbm>> -> memref<1x64x128xf32, #tpu.memory_space<hbm>>
      %dma_start3A_566 = tpu.memref_squeeze %dma_start3A_565 : memref<1x64x128xf32, #tpu.memory_space<hbm>> -> memref<64x128xf32, #tpu.memory_space<hbm>>
      %dma_start3A_567 = tpu.memref_slice %arg8[%dma_start3A_559] : memref<10x!tpu.dma_semaphore, #tpu.memory_space<semaphore_mem>> -> memref<1x!tpu.dma_semaphore, #tpu.memory_space<semaphore_mem>>
      %dma_start3A_568 = tpu.memref_squeeze %dma_start3A_567 : memref<1x!tpu.dma_semaphore, #tpu.memory_space<semaphore_mem>> -> memref<!tpu.dma_semaphore, #tpu.memory_space<semaphore_mem>>
      %dma_start3A_569 = arith.constant 0 : i32
      %dma_start3A_570 = tpu.memref_slice %arg4[%add3A_541, %add3A_557, %dma_start3A_569] : memref<50x4096x128xf32, #tpu.memory_space<hbm>> -> memref<1x64x128xf32, #tpu.memory_space<hbm>>
      %dma_start3A_571 = tpu.memref_squeeze %dma_start3A_570 : memref<1x64x128xf32, #tpu.memory_space<hbm>> -> memref<64x128xf32, #tpu.memory_space<hbm>>
      %dma_start3A_572 = arith.constant 0 : i32
      %dma_start3A_573 = arith.constant 0 : i32
      %dma_start3A_574 = tpu.memref_slice %arg6[%dma_start3A_558, %dma_start3A_572, %dma_start3A_573] : memref<10x64x128xf32, #tpu.memory_space<vmem>> -> memref<1x64x128xf32, #tpu.memory_space<vmem>>
      %dma_start3A_575 = tpu.memref_squeeze %dma_start3A_574 : memref<1x64x128xf32, #tpu.memory_space<vmem>> -> memref<64x128xf32, #tpu.memory_space<vmem>>
      tpu.enqueue_dma source(%dma_start3A_575 : memref<64x128xf32, #tpu.memory_space<vmem>>) target(%dma_start3A_571 : memref<64x128xf32, #tpu.memory_space<hbm>>) target_semaphore(%dma_start3A_568 : memref<!tpu.dma_semaphore, #tpu.memory_space<semaphore_mem>>)
      %mul3A_576 = arith.constant 5 : i32
      %mul3A_577 = arith.muli %scan3A_197, %mul3A_576 : i32
      %add3A_578 = arith.constant 2 : i32
      %add3A_579 = arith.addi %mul3A_577, %add3A_578 : i32
      %dma_wait3A_580 = arith.constant 4 : i32
      %dma_wait3A_581 = arith.constant 4 : i32
      %dma_wait3A_582 = arith.constant 0 : i32
      %dma_wait3A_583 = arith.constant 0 : i32
      %dma_wait3A_584 = tpu.memref_slice %arg6[%dma_wait3A_580, %dma_wait3A_582, %dma_wait3A_583] : memref<10x64x128xf32, #tpu.memory_space<vmem>> -> memref<1x64x128xf32, #tpu.memory_space<vmem>>
      %dma_wait3A_585 = tpu.memref_squeeze %dma_wait3A_584 : memref<1x64x128xf32, #tpu.memory_space<vmem>> -> memref<64x128xf32, #tpu.memory_space<vmem>>
      %dma_wait3A_586 = arith.constant 0 : i32
      %dma_wait3A_587 = tpu.memref_slice %arg5[%add3A_579, %dma_wait3A_586] : memref<50x128xi32, #tpu.memory_space<vmem>> -> memref<1x64xi32, #tpu.memory_space<vmem>>
      %dma_wait3A_588 = tpu.memref_squeeze %dma_wait3A_587 : memref<1x64xi32, #tpu.memory_space<vmem>> -> memref<64xi32, #tpu.memory_space<vmem>>
      %dma_wait3A_589 = arith.constant 0 : i32
      %dma_wait3A_590 = arith.constant 0 : i32
      %dma_wait3A_591 = tpu.memref_slice %arg3[%dma_wait3A_589, %dma_wait3A_590] : memref<100000x128xf32, #tpu.memory_space<hbm>> -> memref<100000x128xf32, #tpu.memory_space<hbm>>
      %dma_wait3A_592 = tpu.memref_slice %arg7[%dma_wait3A_581] : memref<10x!tpu.dma_semaphore, #tpu.memory_space<semaphore_mem>> -> memref<1x!tpu.dma_semaphore, #tpu.memory_space<semaphore_mem>>
      %dma_wait3A_593 = tpu.memref_squeeze %dma_wait3A_592 : memref<1x!tpu.dma_semaphore, #tpu.memory_space<semaphore_mem>> -> memref<!tpu.dma_semaphore, #tpu.memory_space<semaphore_mem>>
      tpu.wait_indirect_dma semaphore(%dma_wait3A_593 : memref<!tpu.dma_semaphore, #tpu.memory_space<semaphore_mem>>) src(%dma_wait3A_591 : memref<100000x128xf32, #tpu.memory_space<hbm>>) dst(%dma_wait3A_585 : memref<64x128xf32, #tpu.memory_space<vmem>>)
      %add3A_594 = arith.constant 0 : i32
      %add3A_595 = arith.addi %mul3A_2, %add3A_594 : i32
      %dma_start3A_596 = arith.constant 4 : i32
      %dma_start3A_597 = arith.constant 4 : i32
      %dma_start3A_598 = arith.constant 0 : i32
      %dma_start3A_599 = arith.constant 0 : i32
      %dma_start3A_600 = tpu.memref_slice %arg6[%dma_start3A_596, %dma_start3A_598, %dma_start3A_599] : memref<10x64x128xf32, #tpu.memory_space<vmem>> -> memref<1x64x128xf32, #tpu.memory_space<vmem>>
      %dma_start3A_601 = tpu.memref_squeeze %dma_start3A_600 : memref<1x64x128xf32, #tpu.memory_space<vmem>> -> memref<64x128xf32, #tpu.memory_space<vmem>>
      %dma_start3A_602 = arith.constant 0 : i32
      %dma_start3A_603 = tpu.memref_slice %arg4[%add3A_579, %add3A_595, %dma_start3A_602] : memref<50x4096x128xf32, #tpu.memory_space<hbm>> -> memref<1x64x128xf32, #tpu.memory_space<hbm>>
      %dma_start3A_604 = tpu.memref_squeeze %dma_start3A_603 : memref<1x64x128xf32, #tpu.memory_space<hbm>> -> memref<64x128xf32, #tpu.memory_space<hbm>>
      %dma_start3A_605 = tpu.memref_slice %arg8[%dma_start3A_597] : memref<10x!tpu.dma_semaphore, #tpu.memory_space<semaphore_mem>> -> memref<1x!tpu.dma_semaphore, #tpu.memory_space<semaphore_mem>>
      %dma_start3A_606 = tpu.memref_squeeze %dma_start3A_605 : memref<1x!tpu.dma_semaphore, #tpu.memory_space<semaphore_mem>> -> memref<!tpu.dma_semaphore, #tpu.memory_space<semaphore_mem>>
      %dma_start3A_607 = arith.constant 0 : i32
      %dma_start3A_608 = tpu.memref_slice %arg4[%add3A_579, %add3A_595, %dma_start3A_607] : memref<50x4096x128xf32, #tpu.memory_space<hbm>> -> memref<1x64x128xf32, #tpu.memory_space<hbm>>
      %dma_start3A_609 = tpu.memref_squeeze %dma_start3A_608 : memref<1x64x128xf32, #tpu.memory_space<hbm>> -> memref<64x128xf32, #tpu.memory_space<hbm>>
      %dma_start3A_610 = arith.constant 0 : i32
      %dma_start3A_611 = arith.constant 0 : i32
      %dma_start3A_612 = tpu.memref_slice %arg6[%dma_start3A_596, %dma_start3A_610, %dma_start3A_611] : memref<10x64x128xf32, #tpu.memory_space<vmem>> -> memref<1x64x128xf32, #tpu.memory_space<vmem>>
      %dma_start3A_613 = tpu.memref_squeeze %dma_start3A_612 : memref<1x64x128xf32, #tpu.memory_space<vmem>> -> memref<64x128xf32, #tpu.memory_space<vmem>>
      tpu.enqueue_dma source(%dma_start3A_613 : memref<64x128xf32, #tpu.memory_space<vmem>>) target(%dma_start3A_609 : memref<64x128xf32, #tpu.memory_space<hbm>>) target_semaphore(%dma_start3A_606 : memref<!tpu.dma_semaphore, #tpu.memory_space<semaphore_mem>>)
      %mul3A_614 = arith.constant 5 : i32
      %mul3A_615 = arith.muli %scan3A_197, %mul3A_614 : i32
      %add3A_616 = arith.constant 2 : i32
      %add3A_617 = arith.addi %mul3A_615, %add3A_616 : i32
      %dma_wait3A_618 = arith.constant 5 : i32
      %dma_wait3A_619 = arith.constant 5 : i32
      %dma_wait3A_620 = arith.constant 0 : i32
      %dma_wait3A_621 = arith.constant 0 : i32
      %dma_wait3A_622 = tpu.memref_slice %arg6[%dma_wait3A_618, %dma_wait3A_620, %dma_wait3A_621] : memref<10x64x128xf32, #tpu.memory_space<vmem>> -> memref<1x64x128xf32, #tpu.memory_space<vmem>>
      %dma_wait3A_623 = tpu.memref_squeeze %dma_wait3A_622 : memref<1x64x128xf32, #tpu.memory_space<vmem>> -> memref<64x128xf32, #tpu.memory_space<vmem>>
      %dma_wait3A_624 = arith.constant 64 : i32
      %dma_wait3A_625 = tpu.memref_slice %arg5[%add3A_617, %dma_wait3A_624] : memref<50x128xi32, #tpu.memory_space<vmem>> -> memref<1x64xi32, #tpu.memory_space<vmem>>
      %dma_wait3A_626 = tpu.memref_squeeze %dma_wait3A_625 : memref<1x64xi32, #tpu.memory_space<vmem>> -> memref<64xi32, #tpu.memory_space<vmem>>
      %dma_wait3A_627 = arith.constant 0 : i32
      %dma_wait3A_628 = arith.constant 0 : i32
      %dma_wait3A_629 = tpu.memref_slice %arg3[%dma_wait3A_627, %dma_wait3A_628] : memref<100000x128xf32, #tpu.memory_space<hbm>> -> memref<100000x128xf32, #tpu.memory_space<hbm>>
      %dma_wait3A_630 = tpu.memref_slice %arg7[%dma_wait3A_619] : memref<10x!tpu.dma_semaphore, #tpu.memory_space<semaphore_mem>> -> memref<1x!tpu.dma_semaphore, #tpu.memory_space<semaphore_mem>>
      %dma_wait3A_631 = tpu.memref_squeeze %dma_wait3A_630 : memref<1x!tpu.dma_semaphore, #tpu.memory_space<semaphore_mem>> -> memref<!tpu.dma_semaphore, #tpu.memory_space<semaphore_mem>>
      tpu.wait_indirect_dma semaphore(%dma_wait3A_631 : memref<!tpu.dma_semaphore, #tpu.memory_space<semaphore_mem>>) src(%dma_wait3A_629 : memref<100000x128xf32, #tpu.memory_space<hbm>>) dst(%dma_wait3A_623 : memref<64x128xf32, #tpu.memory_space<vmem>>)
      %add3A_632 = arith.constant 64 : i32
      %add3A_633 = arith.addi %mul3A_2, %add3A_632 : i32
      %dma_start3A_634 = arith.constant 5 : i32
      %dma_start3A_635 = arith.constant 5 : i32
      %dma_start3A_636 = arith.constant 0 : i32
      %dma_start3A_637 = arith.constant 0 : i32
      %dma_start3A_638 = tpu.memref_slice %arg6[%dma_start3A_634, %dma_start3A_636, %dma_start3A_637] : memref<10x64x128xf32, #tpu.memory_space<vmem>> -> memref<1x64x128xf32, #tpu.memory_space<vmem>>
      %dma_start3A_639 = tpu.memref_squeeze %dma_start3A_638 : memref<1x64x128xf32, #tpu.memory_space<vmem>> -> memref<64x128xf32, #tpu.memory_space<vmem>>
      %dma_start3A_640 = arith.constant 0 : i32
      %dma_start3A_641 = tpu.memref_slice %arg4[%add3A_617, %add3A_633, %dma_start3A_640] : memref<50x4096x128xf32, #tpu.memory_space<hbm>> -> memref<1x64x128xf32, #tpu.memory_space<hbm>>
      %dma_start3A_642 = tpu.memref_squeeze %dma_start3A_641 : memref<1x64x128xf32, #tpu.memory_space<hbm>> -> memref<64x128xf32, #tpu.memory_space<hbm>>
      %dma_start3A_643 = tpu.memref_slice %arg8[%dma_start3A_635] : memref<10x!tpu.dma_semaphore, #tpu.memory_space<semaphore_mem>> -> memref<1x!tpu.dma_semaphore, #tpu.memory_space<semaphore_mem>>
      %dma_start3A_644 = tpu.memref_squeeze %dma_start3A_643 : memref<1x!tpu.dma_semaphore, #tpu.memory_space<semaphore_mem>> -> memref<!tpu.dma_semaphore, #tpu.memory_space<semaphore_mem>>
      %dma_start3A_645 = arith.constant 0 : i32
      %dma_start3A_646 = tpu.memref_slice %arg4[%add3A_617, %add3A_633, %dma_start3A_645] : memref<50x4096x128xf32, #tpu.memory_space<hbm>> -> memref<1x64x128xf32, #tpu.memory_space<hbm>>
      %dma_start3A_647 = tpu.memref_squeeze %dma_start3A_646 : memref<1x64x128xf32, #tpu.memory_space<hbm>> -> memref<64x128xf32, #tpu.memory_space<hbm>>
      %dma_start3A_648 = arith.constant 0 : i32
      %dma_start3A_649 = arith.constant 0 : i32
      %dma_start3A_650 = tpu.memref_slice %arg6[%dma_start3A_634, %dma_start3A_648, %dma_start3A_649] : memref<10x64x128xf32, #tpu.memory_space<vmem>> -> memref<1x64x128xf32, #tpu.memory_space<vmem>>
      %dma_start3A_651 = tpu.memref_squeeze %dma_start3A_650 : memref<1x64x128xf32, #tpu.memory_space<vmem>> -> memref<64x128xf32, #tpu.memory_space<vmem>>
      tpu.enqueue_dma source(%dma_start3A_651 : memref<64x128xf32, #tpu.memory_space<vmem>>) target(%dma_start3A_647 : memref<64x128xf32, #tpu.memory_space<hbm>>) target_semaphore(%dma_start3A_644 : memref<!tpu.dma_semaphore, #tpu.memory_space<semaphore_mem>>)
      %mul3A_652 = arith.constant 5 : i32
      %mul3A_653 = arith.muli %scan3A_197, %mul3A_652 : i32
      %add3A_654 = arith.constant 3 : i32
      %add3A_655 = arith.addi %mul3A_653, %add3A_654 : i32
      %dma_wait3A_656 = arith.constant 6 : i32
      %dma_wait3A_657 = arith.constant 6 : i32
      %dma_wait3A_658 = arith.constant 0 : i32
      %dma_wait3A_659 = arith.constant 0 : i32
      %dma_wait3A_660 = tpu.memref_slice %arg6[%dma_wait3A_656, %dma_wait3A_658, %dma_wait3A_659] : memref<10x64x128xf32, #tpu.memory_space<vmem>> -> memref<1x64x128xf32, #tpu.memory_space<vmem>>
      %dma_wait3A_661 = tpu.memref_squeeze %dma_wait3A_660 : memref<1x64x128xf32, #tpu.memory_space<vmem>> -> memref<64x128xf32, #tpu.memory_space<vmem>>
      %dma_wait3A_662 = arith.constant 0 : i32
      %dma_wait3A_663 = tpu.memref_slice %arg5[%add3A_655, %dma_wait3A_662] : memref<50x128xi32, #tpu.memory_space<vmem>> -> memref<1x64xi32, #tpu.memory_space<vmem>>
      %dma_wait3A_664 = tpu.memref_squeeze %dma_wait3A_663 : memref<1x64xi32, #tpu.memory_space<vmem>> -> memref<64xi32, #tpu.memory_space<vmem>>
      %dma_wait3A_665 = arith.constant 0 : i32
      %dma_wait3A_666 = arith.constant 0 : i32
      %dma_wait3A_667 = tpu.memref_slice %arg3[%dma_wait3A_665, %dma_wait3A_666] : memref<100000x128xf32, #tpu.memory_space<hbm>> -> memref<100000x128xf32, #tpu.memory_space<hbm>>
      %dma_wait3A_668 = tpu.memref_slice %arg7[%dma_wait3A_657] : memref<10x!tpu.dma_semaphore, #tpu.memory_space<semaphore_mem>> -> memref<1x!tpu.dma_semaphore, #tpu.memory_space<semaphore_mem>>
      %dma_wait3A_669 = tpu.memref_squeeze %dma_wait3A_668 : memref<1x!tpu.dma_semaphore, #tpu.memory_space<semaphore_mem>> -> memref<!tpu.dma_semaphore, #tpu.memory_space<semaphore_mem>>
      tpu.wait_indirect_dma semaphore(%dma_wait3A_669 : memref<!tpu.dma_semaphore, #tpu.memory_space<semaphore_mem>>) src(%dma_wait3A_667 : memref<100000x128xf32, #tpu.memory_space<hbm>>) dst(%dma_wait3A_661 : memref<64x128xf32, #tpu.memory_space<vmem>>)
      %add3A_670 = arith.constant 0 : i32
      %add3A_671 = arith.addi %mul3A_2, %add3A_670 : i32
      %dma_start3A_672 = arith.constant 6 : i32
      %dma_start3A_673 = arith.constant 6 : i32
      %dma_start3A_674 = arith.constant 0 : i32
      %dma_start3A_675 = arith.constant 0 : i32
      %dma_start3A_676 = tpu.memref_slice %arg6[%dma_start3A_672, %dma_start3A_674, %dma_start3A_675] : memref<10x64x128xf32, #tpu.memory_space<vmem>> -> memref<1x64x128xf32, #tpu.memory_space<vmem>>
      %dma_start3A_677 = tpu.memref_squeeze %dma_start3A_676 : memref<1x64x128xf32, #tpu.memory_space<vmem>> -> memref<64x128xf32, #tpu.memory_space<vmem>>
      %dma_start3A_678 = arith.constant 0 : i32
      %dma_start3A_679 = tpu.memref_slice %arg4[%add3A_655, %add3A_671, %dma_start3A_678] : memref<50x4096x128xf32, #tpu.memory_space<hbm>> -> memref<1x64x128xf32, #tpu.memory_space<hbm>>
      %dma_start3A_680 = tpu.memref_squeeze %dma_start3A_679 : memref<1x64x128xf32, #tpu.memory_space<hbm>> -> memref<64x128xf32, #tpu.memory_space<hbm>>
      %dma_start3A_681 = tpu.memref_slice %arg8[%dma_start3A_673] : memref<10x!tpu.dma_semaphore, #tpu.memory_space<semaphore_mem>> -> memref<1x!tpu.dma_semaphore, #tpu.memory_space<semaphore_mem>>
      %dma_start3A_682 = tpu.memref_squeeze %dma_start3A_681 : memref<1x!tpu.dma_semaphore, #tpu.memory_space<semaphore_mem>> -> memref<!tpu.dma_semaphore, #tpu.memory_space<semaphore_mem>>
      %dma_start3A_683 = arith.constant 0 : i32
      %dma_start3A_684 = tpu.memref_slice %arg4[%add3A_655, %add3A_671, %dma_start3A_683] : memref<50x4096x128xf32, #tpu.memory_space<hbm>> -> memref<1x64x128xf32, #tpu.memory_space<hbm>>
      %dma_start3A_685 = tpu.memref_squeeze %dma_start3A_684 : memref<1x64x128xf32, #tpu.memory_space<hbm>> -> memref<64x128xf32, #tpu.memory_space<hbm>>
      %dma_start3A_686 = arith.constant 0 : i32
      %dma_start3A_687 = arith.constant 0 : i32
      %dma_start3A_688 = tpu.memref_slice %arg6[%dma_start3A_672, %dma_start3A_686, %dma_start3A_687] : memref<10x64x128xf32, #tpu.memory_space<vmem>> -> memref<1x64x128xf32, #tpu.memory_space<vmem>>
      %dma_start3A_689 = tpu.memref_squeeze %dma_start3A_688 : memref<1x64x128xf32, #tpu.memory_space<vmem>> -> memref<64x128xf32, #tpu.memory_space<vmem>>
      tpu.enqueue_dma source(%dma_start3A_689 : memref<64x128xf32, #tpu.memory_space<vmem>>) target(%dma_start3A_685 : memref<64x128xf32, #tpu.memory_space<hbm>>) target_semaphore(%dma_start3A_682 : memref<!tpu.dma_semaphore, #tpu.memory_space<semaphore_mem>>)
      %mul3A_690 = arith.constant 5 : i32
      %mul3A_691 = arith.muli %scan3A_197, %mul3A_690 : i32
      %add3A_692 = arith.constant 3 : i32
      %add3A_693 = arith.addi %mul3A_691, %add3A_692 : i32
      %dma_wait3A_694 = arith.constant 7 : i32
      %dma_wait3A_695 = arith.constant 7 : i32
      %dma_wait3A_696 = arith.constant 0 : i32
      %dma_wait3A_697 = arith.constant 0 : i32
      %dma_wait3A_698 = tpu.memref_slice %arg6[%dma_wait3A_694, %dma_wait3A_696, %dma_wait3A_697] : memref<10x64x128xf32, #tpu.memory_space<vmem>> -> memref<1x64x128xf32, #tpu.memory_space<vmem>>
      %dma_wait3A_699 = tpu.memref_squeeze %dma_wait3A_698 : memref<1x64x128xf32, #tpu.memory_space<vmem>> -> memref<64x128xf32, #tpu.memory_space<vmem>>
      %dma_wait3A_700 = arith.constant 64 : i32
      %dma_wait3A_701 = tpu.memref_slice %arg5[%add3A_693, %dma_wait3A_700] : memref<50x128xi32, #tpu.memory_space<vmem>> -> memref<1x64xi32, #tpu.memory_space<vmem>>
      %dma_wait3A_702 = tpu.memref_squeeze %dma_wait3A_701 : memref<1x64xi32, #tpu.memory_space<vmem>> -> memref<64xi32, #tpu.memory_space<vmem>>
      %dma_wait3A_703 = arith.constant 0 : i32
      %dma_wait3A_704 = arith.constant 0 : i32
      %dma_wait3A_705 = tpu.memref_slice %arg3[%dma_wait3A_703, %dma_wait3A_704] : memref<100000x128xf32, #tpu.memory_space<hbm>> -> memref<100000x128xf32, #tpu.memory_space<hbm>>
      %dma_wait3A_706 = tpu.memref_slice %arg7[%dma_wait3A_695] : memref<10x!tpu.dma_semaphore, #tpu.memory_space<semaphore_mem>> -> memref<1x!tpu.dma_semaphore, #tpu.memory_space<semaphore_mem>>
      %dma_wait3A_707 = tpu.memref_squeeze %dma_wait3A_706 : memref<1x!tpu.dma_semaphore, #tpu.memory_space<semaphore_mem>> -> memref<!tpu.dma_semaphore, #tpu.memory_space<semaphore_mem>>
      tpu.wait_indirect_dma semaphore(%dma_wait3A_707 : memref<!tpu.dma_semaphore, #tpu.memory_space<semaphore_mem>>) src(%dma_wait3A_705 : memref<100000x128xf32, #tpu.memory_space<hbm>>) dst(%dma_wait3A_699 : memref<64x128xf32, #tpu.memory_space<vmem>>)
      %add3A_708 = arith.constant 64 : i32
      %add3A_709 = arith.addi %mul3A_2, %add3A_708 : i32
      %dma_start3A_710 = arith.constant 7 : i32
      %dma_start3A_711 = arith.constant 7 : i32
      %dma_start3A_712 = arith.constant 0 : i32
      %dma_start3A_713 = arith.constant 0 : i32
      %dma_start3A_714 = tpu.memref_slice %arg6[%dma_start3A_710, %dma_start3A_712, %dma_start3A_713] : memref<10x64x128xf32, #tpu.memory_space<vmem>> -> memref<1x64x128xf32, #tpu.memory_space<vmem>>
      %dma_start3A_715 = tpu.memref_squeeze %dma_start3A_714 : memref<1x64x128xf32, #tpu.memory_space<vmem>> -> memref<64x128xf32, #tpu.memory_space<vmem>>
      %dma_start3A_716 = arith.constant 0 : i32
      %dma_start3A_717 = tpu.memref_slice %arg4[%add3A_693, %add3A_709, %dma_start3A_716] : memref<50x4096x128xf32, #tpu.memory_space<hbm>> -> memref<1x64x128xf32, #tpu.memory_space<hbm>>
      %dma_start3A_718 = tpu.memref_squeeze %dma_start3A_717 : memref<1x64x128xf32, #tpu.memory_space<hbm>> -> memref<64x128xf32, #tpu.memory_space<hbm>>
      %dma_start3A_719 = tpu.memref_slice %arg8[%dma_start3A_711] : memref<10x!tpu.dma_semaphore, #tpu.memory_space<semaphore_mem>> -> memref<1x!tpu.dma_semaphore, #tpu.memory_space<semaphore_mem>>
      %dma_start3A_720 = tpu.memref_squeeze %dma_start3A_719 : memref<1x!tpu.dma_semaphore, #tpu.memory_space<semaphore_mem>> -> memref<!tpu.dma_semaphore, #tpu.memory_space<semaphore_mem>>
      %dma_start3A_721 = arith.constant 0 : i32
      %dma_start3A_722 = tpu.memref_slice %arg4[%add3A_693, %add3A_709, %dma_start3A_721] : memref<50x4096x128xf32, #tpu.memory_space<hbm>> -> memref<1x64x128xf32, #tpu.memory_space<hbm>>
      %dma_start3A_723 = tpu.memref_squeeze %dma_start3A_722 : memref<1x64x128xf32, #tpu.memory_space<hbm>> -> memref<64x128xf32, #tpu.memory_space<hbm>>
      %dma_start3A_724 = arith.constant 0 : i32
      %dma_start3A_725 = arith.constant 0 : i32
      %dma_start3A_726 = tpu.memref_slice %arg6[%dma_start3A_710, %dma_start3A_724, %dma_start3A_725] : memref<10x64x128xf32, #tpu.memory_space<vmem>> -> memref<1x64x128xf32, #tpu.memory_space<vmem>>
      %dma_start3A_727 = tpu.memref_squeeze %dma_start3A_726 : memref<1x64x128xf32, #tpu.memory_space<vmem>> -> memref<64x128xf32, #tpu.memory_space<vmem>>
      tpu.enqueue_dma source(%dma_start3A_727 : memref<64x128xf32, #tpu.memory_space<vmem>>) target(%dma_start3A_723 : memref<64x128xf32, #tpu.memory_space<hbm>>) target_semaphore(%dma_start3A_720 : memref<!tpu.dma_semaphore, #tpu.memory_space<semaphore_mem>>)
      %mul3A_728 = arith.constant 5 : i32
      %mul3A_729 = arith.muli %scan3A_197, %mul3A_728 : i32
      %add3A_730 = arith.constant 4 : i32
      %add3A_731 = arith.addi %mul3A_729, %add3A_730 : i32
      %dma_wait3A_732 = arith.constant 8 : i32
      %dma_wait3A_733 = arith.constant 8 : i32
      %dma_wait3A_734 = arith.constant 0 : i32
      %dma_wait3A_735 = arith.constant 0 : i32
      %dma_wait3A_736 = tpu.memref_slice %arg6[%dma_wait3A_732, %dma_wait3A_734, %dma_wait3A_735] : memref<10x64x128xf32, #tpu.memory_space<vmem>> -> memref<1x64x128xf32, #tpu.memory_space<vmem>>
      %dma_wait3A_737 = tpu.memref_squeeze %dma_wait3A_736 : memref<1x64x128xf32, #tpu.memory_space<vmem>> -> memref<64x128xf32, #tpu.memory_space<vmem>>
      %dma_wait3A_738 = arith.constant 0 : i32
      %dma_wait3A_739 = tpu.memref_slice %arg5[%add3A_731, %dma_wait3A_738] : memref<50x128xi32, #tpu.memory_space<vmem>> -> memref<1x64xi32, #tpu.memory_space<vmem>>
      %dma_wait3A_740 = tpu.memref_squeeze %dma_wait3A_739 : memref<1x64xi32, #tpu.memory_space<vmem>> -> memref<64xi32, #tpu.memory_space<vmem>>
      %dma_wait3A_741 = arith.constant 0 : i32
      %dma_wait3A_742 = arith.constant 0 : i32
      %dma_wait3A_743 = tpu.memref_slice %arg3[%dma_wait3A_741, %dma_wait3A_742] : memref<100000x128xf32, #tpu.memory_space<hbm>> -> memref<100000x128xf32, #tpu.memory_space<hbm>>
      %dma_wait3A_744 = tpu.memref_slice %arg7[%dma_wait3A_733] : memref<10x!tpu.dma_semaphore, #tpu.memory_space<semaphore_mem>> -> memref<1x!tpu.dma_semaphore, #tpu.memory_space<semaphore_mem>>
      %dma_wait3A_745 = tpu.memref_squeeze %dma_wait3A_744 : memref<1x!tpu.dma_semaphore, #tpu.memory_space<semaphore_mem>> -> memref<!tpu.dma_semaphore, #tpu.memory_space<semaphore_mem>>
      tpu.wait_indirect_dma semaphore(%dma_wait3A_745 : memref<!tpu.dma_semaphore, #tpu.memory_space<semaphore_mem>>) src(%dma_wait3A_743 : memref<100000x128xf32, #tpu.memory_space<hbm>>) dst(%dma_wait3A_737 : memref<64x128xf32, #tpu.memory_space<vmem>>)
      %add3A_746 = arith.constant 0 : i32
      %add3A_747 = arith.addi %mul3A_2, %add3A_746 : i32
      %dma_start3A_748 = arith.constant 8 : i32
      %dma_start3A_749 = arith.constant 8 : i32
      %dma_start3A_750 = arith.constant 0 : i32
      %dma_start3A_751 = arith.constant 0 : i32
      %dma_start3A_752 = tpu.memref_slice %arg6[%dma_start3A_748, %dma_start3A_750, %dma_start3A_751] : memref<10x64x128xf32, #tpu.memory_space<vmem>> -> memref<1x64x128xf32, #tpu.memory_space<vmem>>
      %dma_start3A_753 = tpu.memref_squeeze %dma_start3A_752 : memref<1x64x128xf32, #tpu.memory_space<vmem>> -> memref<64x128xf32, #tpu.memory_space<vmem>>
      %dma_start3A_754 = arith.constant 0 : i32
      %dma_start3A_755 = tpu.memref_slice %arg4[%add3A_731, %add3A_747, %dma_start3A_754] : memref<50x4096x128xf32, #tpu.memory_space<hbm>> -> memref<1x64x128xf32, #tpu.memory_space<hbm>>
      %dma_start3A_756 = tpu.memref_squeeze %dma_start3A_755 : memref<1x64x128xf32, #tpu.memory_space<hbm>> -> memref<64x128xf32, #tpu.memory_space<hbm>>
      %dma_start3A_757 = tpu.memref_slice %arg8[%dma_start3A_749] : memref<10x!tpu.dma_semaphore, #tpu.memory_space<semaphore_mem>> -> memref<1x!tpu.dma_semaphore, #tpu.memory_space<semaphore_mem>>
      %dma_start3A_758 = tpu.memref_squeeze %dma_start3A_757 : memref<1x!tpu.dma_semaphore, #tpu.memory_space<semaphore_mem>> -> memref<!tpu.dma_semaphore, #tpu.memory_space<semaphore_mem>>
      %dma_start3A_759 = arith.constant 0 : i32
      %dma_start3A_760 = tpu.memref_slice %arg4[%add3A_731, %add3A_747, %dma_start3A_759] : memref<50x4096x128xf32, #tpu.memory_space<hbm>> -> memref<1x64x128xf32, #tpu.memory_space<hbm>>
      %dma_start3A_761 = tpu.memref_squeeze %dma_start3A_760 : memref<1x64x128xf32, #tpu.memory_space<hbm>> -> memref<64x128xf32, #tpu.memory_space<hbm>>
      %dma_start3A_762 = arith.constant 0 : i32
      %dma_start3A_763 = arith.constant 0 : i32
      %dma_start3A_764 = tpu.memref_slice %arg6[%dma_start3A_748, %dma_start3A_762, %dma_start3A_763] : memref<10x64x128xf32, #tpu.memory_space<vmem>> -> memref<1x64x128xf32, #tpu.memory_space<vmem>>
      %dma_start3A_765 = tpu.memref_squeeze %dma_start3A_764 : memref<1x64x128xf32, #tpu.memory_space<vmem>> -> memref<64x128xf32, #tpu.memory_space<vmem>>
      tpu.enqueue_dma source(%dma_start3A_765 : memref<64x128xf32, #tpu.memory_space<vmem>>) target(%dma_start3A_761 : memref<64x128xf32, #tpu.memory_space<hbm>>) target_semaphore(%dma_start3A_758 : memref<!tpu.dma_semaphore, #tpu.memory_space<semaphore_mem>>)
      %mul3A_766 = arith.constant 5 : i32
      %mul3A_767 = arith.muli %scan3A_197, %mul3A_766 : i32
      %add3A_768 = arith.constant 4 : i32
      %add3A_769 = arith.addi %mul3A_767, %add3A_768 : i32
      %dma_wait3A_770 = arith.constant 9 : i32
      %dma_wait3A_771 = arith.constant 9 : i32
      %dma_wait3A_772 = arith.constant 0 : i32
      %dma_wait3A_773 = arith.constant 0 : i32
      %dma_wait3A_774 = tpu.memref_slice %arg6[%dma_wait3A_770, %dma_wait3A_772, %dma_wait3A_773] : memref<10x64x128xf32, #tpu.memory_space<vmem>> -> memref<1x64x128xf32, #tpu.memory_space<vmem>>
      %dma_wait3A_775 = tpu.memref_squeeze %dma_wait3A_774 : memref<1x64x128xf32, #tpu.memory_space<vmem>> -> memref<64x128xf32, #tpu.memory_space<vmem>>
      %dma_wait3A_776 = arith.constant 64 : i32
      %dma_wait3A_777 = tpu.memref_slice %arg5[%add3A_769, %dma_wait3A_776] : memref<50x128xi32, #tpu.memory_space<vmem>> -> memref<1x64xi32, #tpu.memory_space<vmem>>
      %dma_wait3A_778 = tpu.memref_squeeze %dma_wait3A_777 : memref<1x64xi32, #tpu.memory_space<vmem>> -> memref<64xi32, #tpu.memory_space<vmem>>
      %dma_wait3A_779 = arith.constant 0 : i32
      %dma_wait3A_780 = arith.constant 0 : i32
      %dma_wait3A_781 = tpu.memref_slice %arg3[%dma_wait3A_779, %dma_wait3A_780] : memref<100000x128xf32, #tpu.memory_space<hbm>> -> memref<100000x128xf32, #tpu.memory_space<hbm>>
      %dma_wait3A_782 = tpu.memref_slice %arg7[%dma_wait3A_771] : memref<10x!tpu.dma_semaphore, #tpu.memory_space<semaphore_mem>> -> memref<1x!tpu.dma_semaphore, #tpu.memory_space<semaphore_mem>>
      %dma_wait3A_783 = tpu.memref_squeeze %dma_wait3A_782 : memref<1x!tpu.dma_semaphore, #tpu.memory_space<semaphore_mem>> -> memref<!tpu.dma_semaphore, #tpu.memory_space<semaphore_mem>>
      tpu.wait_indirect_dma semaphore(%dma_wait3A_783 : memref<!tpu.dma_semaphore, #tpu.memory_space<semaphore_mem>>) src(%dma_wait3A_781 : memref<100000x128xf32, #tpu.memory_space<hbm>>) dst(%dma_wait3A_775 : memref<64x128xf32, #tpu.memory_space<vmem>>)
      %add3A_784 = arith.constant 64 : i32
      %add3A_785 = arith.addi %mul3A_2, %add3A_784 : i32
      %dma_start3A_786 = arith.constant 9 : i32
      %dma_start3A_787 = arith.constant 9 : i32
      %dma_start3A_788 = arith.constant 0 : i32
      %dma_start3A_789 = arith.constant 0 : i32
      %dma_start3A_790 = tpu.memref_slice %arg6[%dma_start3A_786, %dma_start3A_788, %dma_start3A_789] : memref<10x64x128xf32, #tpu.memory_space<vmem>> -> memref<1x64x128xf32, #tpu.memory_space<vmem>>
      %dma_start3A_791 = tpu.memref_squeeze %dma_start3A_790 : memref<1x64x128xf32, #tpu.memory_space<vmem>> -> memref<64x128xf32, #tpu.memory_space<vmem>>
      %dma_start3A_792 = arith.constant 0 : i32
      %dma_start3A_793 = tpu.memref_slice %arg4[%add3A_769, %add3A_785, %dma_start3A_792] : memref<50x4096x128xf32, #tpu.memory_space<hbm>> -> memref<1x64x128xf32, #tpu.memory_space<hbm>>
      %dma_start3A_794 = tpu.memref_squeeze %dma_start3A_793 : memref<1x64x128xf32, #tpu.memory_space<hbm>> -> memref<64x128xf32, #tpu.memory_space<hbm>>
      %dma_start3A_795 = tpu.memref_slice %arg8[%dma_start3A_787] : memref<10x!tpu.dma_semaphore, #tpu.memory_space<semaphore_mem>> -> memref<1x!tpu.dma_semaphore, #tpu.memory_space<semaphore_mem>>
      %dma_start3A_796 = tpu.memref_squeeze %dma_start3A_795 : memref<1x!tpu.dma_semaphore, #tpu.memory_space<semaphore_mem>> -> memref<!tpu.dma_semaphore, #tpu.memory_space<semaphore_mem>>
      %dma_start3A_797 = arith.constant 0 : i32
      %dma_start3A_798 = tpu.memref_slice %arg4[%add3A_769, %add3A_785, %dma_start3A_797] : memref<50x4096x128xf32, #tpu.memory_space<hbm>> -> memref<1x64x128xf32, #tpu.memory_space<hbm>>
      %dma_start3A_799 = tpu.memref_squeeze %dma_start3A_798 : memref<1x64x128xf32, #tpu.memory_space<hbm>> -> memref<64x128xf32, #tpu.memory_space<hbm>>
      %dma_start3A_800 = arith.constant 0 : i32
      %dma_start3A_801 = arith.constant 0 : i32
      %dma_start3A_802 = tpu.memref_slice %arg6[%dma_start3A_786, %dma_start3A_800, %dma_start3A_801] : memref<10x64x128xf32, #tpu.memory_space<vmem>> -> memref<1x64x128xf32, #tpu.memory_space<vmem>>
      %dma_start3A_803 = tpu.memref_squeeze %dma_start3A_802 : memref<1x64x128xf32, #tpu.memory_space<vmem>> -> memref<64x128xf32, #tpu.memory_space<vmem>>
      tpu.enqueue_dma source(%dma_start3A_803 : memref<64x128xf32, #tpu.memory_space<vmem>>) target(%dma_start3A_799 : memref<64x128xf32, #tpu.memory_space<hbm>>) target_semaphore(%dma_start3A_796 : memref<!tpu.dma_semaphore, #tpu.memory_space<semaphore_mem>>)
    }
    %scan3A_7 = arith.constant 10 : i32
    %dma_wait3A = arith.constant 0 : i32
    %dma_wait3A_8 = arith.constant 0 : i32
    %dma_wait3A_9 = arith.constant 0 : i32
    %dma_wait3A_10 = arith.constant 0 : i32
    %dma_wait3A_11 = arith.constant 0 : i32
    %dma_wait3A_12 = tpu.memref_slice %arg6[%dma_wait3A, %dma_wait3A_10, %dma_wait3A_11] : memref<10x64x128xf32, #tpu.memory_space<vmem>> -> memref<1x64x128xf32, #tpu.memory_space<vmem>>
    %dma_wait3A_13 = tpu.memref_squeeze %dma_wait3A_12 : memref<1x64x128xf32, #tpu.memory_space<vmem>> -> memref<64x128xf32, #tpu.memory_space<vmem>>
    %dma_wait3A_14 = arith.constant 0 : i32
    %dma_wait3A_15 = tpu.memref_slice %arg4[%dma_wait3A_8, %mul3A_2, %dma_wait3A_14] : memref<50x4096x128xf32, #tpu.memory_space<hbm>> -> memref<1x64x128xf32, #tpu.memory_space<hbm>>
    %dma_wait3A_16 = tpu.memref_squeeze %dma_wait3A_15 : memref<1x64x128xf32, #tpu.memory_space<hbm>> -> memref<64x128xf32, #tpu.memory_space<hbm>>
    %dma_wait3A_17 = tpu.memref_slice %arg8[%dma_wait3A_9] : memref<10x!tpu.dma_semaphore, #tpu.memory_space<semaphore_mem>> -> memref<1x!tpu.dma_semaphore, #tpu.memory_space<semaphore_mem>>
    %dma_wait3A_18 = tpu.memref_squeeze %dma_wait3A_17 : memref<1x!tpu.dma_semaphore, #tpu.memory_space<semaphore_mem>> -> memref<!tpu.dma_semaphore, #tpu.memory_space<semaphore_mem>>
    %dma_wait3A_19 = arith.constant 0 : i32
    %dma_wait3A_20 = tpu.memref_slice %arg4[%dma_wait3A_8, %mul3A_2, %dma_wait3A_19] : memref<50x4096x128xf32, #tpu.memory_space<hbm>> -> memref<1x64x128xf32, #tpu.memory_space<hbm>>
    %dma_wait3A_21 = tpu.memref_squeeze %dma_wait3A_20 : memref<1x64x128xf32, #tpu.memory_space<hbm>> -> memref<64x128xf32, #tpu.memory_space<hbm>>
    %dma_wait3A_22 = arith.constant 0 : i32
    %dma_wait3A_23 = arith.constant 0 : i32
    %dma_wait3A_24 = tpu.memref_slice %arg6[%dma_wait3A, %dma_wait3A_22, %dma_wait3A_23] : memref<10x64x128xf32, #tpu.memory_space<vmem>> -> memref<1x64x128xf32, #tpu.memory_space<vmem>>
    %dma_wait3A_25 = tpu.memref_squeeze %dma_wait3A_24 : memref<1x64x128xf32, #tpu.memory_space<vmem>> -> memref<64x128xf32, #tpu.memory_space<vmem>>
    tpu.wait_dma2 semaphore(%dma_wait3A_18 : memref<!tpu.dma_semaphore, #tpu.memory_space<semaphore_mem>>) src(%dma_wait3A_25 : memref<64x128xf32, #tpu.memory_space<vmem>>) dst(%dma_wait3A_21 : memref<64x128xf32, #tpu.memory_space<hbm>>)
    %dma_wait3A_26 = arith.constant 1 : i32
    %dma_wait3A_27 = arith.constant 0 : i32
    %dma_wait3A_28 = arith.constant 1 : i32
    %dma_wait3A_29 = arith.constant 0 : i32
    %dma_wait3A_30 = arith.constant 0 : i32
    %dma_wait3A_31 = tpu.memref_slice %arg6[%dma_wait3A_26, %dma_wait3A_29, %dma_wait3A_30] : memref<10x64x128xf32, #tpu.memory_space<vmem>> -> memref<1x64x128xf32, #tpu.memory_space<vmem>>
    %dma_wait3A_32 = tpu.memref_squeeze %dma_wait3A_31 : memref<1x64x128xf32, #tpu.memory_space<vmem>> -> memref<64x128xf32, #tpu.memory_space<vmem>>
    %dma_wait3A_33 = arith.constant 0 : i32
    %dma_wait3A_34 = tpu.memref_slice %arg4[%dma_wait3A_27, %mul3A_2, %dma_wait3A_33] : memref<50x4096x128xf32, #tpu.memory_space<hbm>> -> memref<1x64x128xf32, #tpu.memory_space<hbm>>
    %dma_wait3A_35 = tpu.memref_squeeze %dma_wait3A_34 : memref<1x64x128xf32, #tpu.memory_space<hbm>> -> memref<64x128xf32, #tpu.memory_space<hbm>>
    %dma_wait3A_36 = tpu.memref_slice %arg8[%dma_wait3A_28] : memref<10x!tpu.dma_semaphore, #tpu.memory_space<semaphore_mem>> -> memref<1x!tpu.dma_semaphore, #tpu.memory_space<semaphore_mem>>
    %dma_wait3A_37 = tpu.memref_squeeze %dma_wait3A_36 : memref<1x!tpu.dma_semaphore, #tpu.memory_space<semaphore_mem>> -> memref<!tpu.dma_semaphore, #tpu.memory_space<semaphore_mem>>
    %dma_wait3A_38 = arith.constant 0 : i32
    %dma_wait3A_39 = tpu.memref_slice %arg4[%dma_wait3A_27, %mul3A_2, %dma_wait3A_38] : memref<50x4096x128xf32, #tpu.memory_space<hbm>> -> memref<1x64x128xf32, #tpu.memory_space<hbm>>
    %dma_wait3A_40 = tpu.memref_squeeze %dma_wait3A_39 : memref<1x64x128xf32, #tpu.memory_space<hbm>> -> memref<64x128xf32, #tpu.memory_space<hbm>>
    %dma_wait3A_41 = arith.constant 0 : i32
    %dma_wait3A_42 = arith.constant 0 : i32
    %dma_wait3A_43 = tpu.memref_slice %arg6[%dma_wait3A_26, %dma_wait3A_41, %dma_wait3A_42] : memref<10x64x128xf32, #tpu.memory_space<vmem>> -> memref<1x64x128xf32, #tpu.memory_space<vmem>>
    %dma_wait3A_44 = tpu.memref_squeeze %dma_wait3A_43 : memref<1x64x128xf32, #tpu.memory_space<vmem>> -> memref<64x128xf32, #tpu.memory_space<vmem>>
    tpu.wait_dma2 semaphore(%dma_wait3A_37 : memref<!tpu.dma_semaphore, #tpu.memory_space<semaphore_mem>>) src(%dma_wait3A_44 : memref<64x128xf32, #tpu.memory_space<vmem>>) dst(%dma_wait3A_40 : memref<64x128xf32, #tpu.memory_space<hbm>>)
    %dma_wait3A_45 = arith.constant 2 : i32
    %dma_wait3A_46 = arith.constant 0 : i32
    %dma_wait3A_47 = arith.constant 2 : i32
    %dma_wait3A_48 = arith.constant 0 : i32
    %dma_wait3A_49 = arith.constant 0 : i32
    %dma_wait3A_50 = tpu.memref_slice %arg6[%dma_wait3A_45, %dma_wait3A_48, %dma_wait3A_49] : memref<10x64x128xf32, #tpu.memory_space<vmem>> -> memref<1x64x128xf32, #tpu.memory_space<vmem>>
    %dma_wait3A_51 = tpu.memref_squeeze %dma_wait3A_50 : memref<1x64x128xf32, #tpu.memory_space<vmem>> -> memref<64x128xf32, #tpu.memory_space<vmem>>
    %dma_wait3A_52 = arith.constant 0 : i32
    %dma_wait3A_53 = tpu.memref_slice %arg4[%dma_wait3A_46, %mul3A_2, %dma_wait3A_52] : memref<50x4096x128xf32, #tpu.memory_space<hbm>> -> memref<1x64x128xf32, #tpu.memory_space<hbm>>
    %dma_wait3A_54 = tpu.memref_squeeze %dma_wait3A_53 : memref<1x64x128xf32, #tpu.memory_space<hbm>> -> memref<64x128xf32, #tpu.memory_space<hbm>>
    %dma_wait3A_55 = tpu.memref_slice %arg8[%dma_wait3A_47] : memref<10x!tpu.dma_semaphore, #tpu.memory_space<semaphore_mem>> -> memref<1x!tpu.dma_semaphore, #tpu.memory_space<semaphore_mem>>
    %dma_wait3A_56 = tpu.memref_squeeze %dma_wait3A_55 : memref<1x!tpu.dma_semaphore, #tpu.memory_space<semaphore_mem>> -> memref<!tpu.dma_semaphore, #tpu.memory_space<semaphore_mem>>
    %dma_wait3A_57 = arith.constant 0 : i32
    %dma_wait3A_58 = tpu.memref_slice %arg4[%dma_wait3A_46, %mul3A_2, %dma_wait3A_57] : memref<50x4096x128xf32, #tpu.memory_space<hbm>> -> memref<1x64x128xf32, #tpu.memory_space<hbm>>
    %dma_wait3A_59 = tpu.memref_squeeze %dma_wait3A_58 : memref<1x64x128xf32, #tpu.memory_space<hbm>> -> memref<64x128xf32, #tpu.memory_space<hbm>>
    %dma_wait3A_60 = arith.constant 0 : i32
    %dma_wait3A_61 = arith.constant 0 : i32
    %dma_wait3A_62 = tpu.memref_slice %arg6[%dma_wait3A_45, %dma_wait3A_60, %dma_wait3A_61] : memref<10x64x128xf32, #tpu.memory_space<vmem>> -> memref<1x64x128xf32, #tpu.memory_space<vmem>>
    %dma_wait3A_63 = tpu.memref_squeeze %dma_wait3A_62 : memref<1x64x128xf32, #tpu.memory_space<vmem>> -> memref<64x128xf32, #tpu.memory_space<vmem>>
    tpu.wait_dma2 semaphore(%dma_wait3A_56 : memref<!tpu.dma_semaphore, #tpu.memory_space<semaphore_mem>>) src(%dma_wait3A_63 : memref<64x128xf32, #tpu.memory_space<vmem>>) dst(%dma_wait3A_59 : memref<64x128xf32, #tpu.memory_space<hbm>>)
    %dma_wait3A_64 = arith.constant 3 : i32
    %dma_wait3A_65 = arith.constant 0 : i32
    %dma_wait3A_66 = arith.constant 3 : i32
    %dma_wait3A_67 = arith.constant 0 : i32
    %dma_wait3A_68 = arith.constant 0 : i32
    %dma_wait3A_69 = tpu.memref_slice %arg6[%dma_wait3A_64, %dma_wait3A_67, %dma_wait3A_68] : memref<10x64x128xf32, #tpu.memory_space<vmem>> -> memref<1x64x128xf32, #tpu.memory_space<vmem>>
    %dma_wait3A_70 = tpu.memref_squeeze %dma_wait3A_69 : memref<1x64x128xf32, #tpu.memory_space<vmem>> -> memref<64x128xf32, #tpu.memory_space<vmem>>
    %dma_wait3A_71 = arith.constant 0 : i32
    %dma_wait3A_72 = tpu.memref_slice %arg4[%dma_wait3A_65, %mul3A_2, %dma_wait3A_71] : memref<50x4096x128xf32, #tpu.memory_space<hbm>> -> memref<1x64x128xf32, #tpu.memory_space<hbm>>
    %dma_wait3A_73 = tpu.memref_squeeze %dma_wait3A_72 : memref<1x64x128xf32, #tpu.memory_space<hbm>> -> memref<64x128xf32, #tpu.memory_space<hbm>>
    %dma_wait3A_74 = tpu.memref_slice %arg8[%dma_wait3A_66] : memref<10x!tpu.dma_semaphore, #tpu.memory_space<semaphore_mem>> -> memref<1x!tpu.dma_semaphore, #tpu.memory_space<semaphore_mem>>
    %dma_wait3A_75 = tpu.memref_squeeze %dma_wait3A_74 : memref<1x!tpu.dma_semaphore, #tpu.memory_space<semaphore_mem>> -> memref<!tpu.dma_semaphore, #tpu.memory_space<semaphore_mem>>
    %dma_wait3A_76 = arith.constant 0 : i32
    %dma_wait3A_77 = tpu.memref_slice %arg4[%dma_wait3A_65, %mul3A_2, %dma_wait3A_76] : memref<50x4096x128xf32, #tpu.memory_space<hbm>> -> memref<1x64x128xf32, #tpu.memory_space<hbm>>
    %dma_wait3A_78 = tpu.memref_squeeze %dma_wait3A_77 : memref<1x64x128xf32, #tpu.memory_space<hbm>> -> memref<64x128xf32, #tpu.memory_space<hbm>>
    %dma_wait3A_79 = arith.constant 0 : i32
    %dma_wait3A_80 = arith.constant 0 : i32
    %dma_wait3A_81 = tpu.memref_slice %arg6[%dma_wait3A_64, %dma_wait3A_79, %dma_wait3A_80] : memref<10x64x128xf32, #tpu.memory_space<vmem>> -> memref<1x64x128xf32, #tpu.memory_space<vmem>>
    %dma_wait3A_82 = tpu.memref_squeeze %dma_wait3A_81 : memref<1x64x128xf32, #tpu.memory_space<vmem>> -> memref<64x128xf32, #tpu.memory_space<vmem>>
    tpu.wait_dma2 semaphore(%dma_wait3A_75 : memref<!tpu.dma_semaphore, #tpu.memory_space<semaphore_mem>>) src(%dma_wait3A_82 : memref<64x128xf32, #tpu.memory_space<vmem>>) dst(%dma_wait3A_78 : memref<64x128xf32, #tpu.memory_space<hbm>>)
    %dma_wait3A_83 = arith.constant 4 : i32
    %dma_wait3A_84 = arith.constant 0 : i32
    %dma_wait3A_85 = arith.constant 4 : i32
    %dma_wait3A_86 = arith.constant 0 : i32
    %dma_wait3A_87 = arith.constant 0 : i32
    %dma_wait3A_88 = tpu.memref_slice %arg6[%dma_wait3A_83, %dma_wait3A_86, %dma_wait3A_87] : memref<10x64x128xf32, #tpu.memory_space<vmem>> -> memref<1x64x128xf32, #tpu.memory_space<vmem>>
    %dma_wait3A_89 = tpu.memref_squeeze %dma_wait3A_88 : memref<1x64x128xf32, #tpu.memory_space<vmem>> -> memref<64x128xf32, #tpu.memory_space<vmem>>
    %dma_wait3A_90 = arith.constant 0 : i32
    %dma_wait3A_91 = tpu.memref_slice %arg4[%dma_wait3A_84, %mul3A_2, %dma_wait3A_90] : memref<50x4096x128xf32, #tpu.memory_space<hbm>> -> memref<1x64x128xf32, #tpu.memory_space<hbm>>
    %dma_wait3A_92 = tpu.memref_squeeze %dma_wait3A_91 : memref<1x64x128xf32, #tpu.memory_space<hbm>> -> memref<64x128xf32, #tpu.memory_space<hbm>>
    %dma_wait3A_93 = tpu.memref_slice %arg8[%dma_wait3A_85] : memref<10x!tpu.dma_semaphore, #tpu.memory_space<semaphore_mem>> -> memref<1x!tpu.dma_semaphore, #tpu.memory_space<semaphore_mem>>
    %dma_wait3A_94 = tpu.memref_squeeze %dma_wait3A_93 : memref<1x!tpu.dma_semaphore, #tpu.memory_space<semaphore_mem>> -> memref<!tpu.dma_semaphore, #tpu.memory_space<semaphore_mem>>
    %dma_wait3A_95 = arith.constant 0 : i32
    %dma_wait3A_96 = tpu.memref_slice %arg4[%dma_wait3A_84, %mul3A_2, %dma_wait3A_95] : memref<50x4096x128xf32, #tpu.memory_space<hbm>> -> memref<1x64x128xf32, #tpu.memory_space<hbm>>
    %dma_wait3A_97 = tpu.memref_squeeze %dma_wait3A_96 : memref<1x64x128xf32, #tpu.memory_space<hbm>> -> memref<64x128xf32, #tpu.memory_space<hbm>>
    %dma_wait3A_98 = arith.constant 0 : i32
    %dma_wait3A_99 = arith.constant 0 : i32
    %dma_wait3A_100 = tpu.memref_slice %arg6[%dma_wait3A_83, %dma_wait3A_98, %dma_wait3A_99] : memref<10x64x128xf32, #tpu.memory_space<vmem>> -> memref<1x64x128xf32, #tpu.memory_space<vmem>>
    %dma_wait3A_101 = tpu.memref_squeeze %dma_wait3A_100 : memref<1x64x128xf32, #tpu.memory_space<vmem>> -> memref<64x128xf32, #tpu.memory_space<vmem>>
    tpu.wait_dma2 semaphore(%dma_wait3A_94 : memref<!tpu.dma_semaphore, #tpu.memory_space<semaphore_mem>>) src(%dma_wait3A_101 : memref<64x128xf32, #tpu.memory_space<vmem>>) dst(%dma_wait3A_97 : memref<64x128xf32, #tpu.memory_space<hbm>>)
    %dma_wait3A_102 = arith.constant 5 : i32
    %dma_wait3A_103 = arith.constant 0 : i32
    %dma_wait3A_104 = arith.constant 5 : i32
    %dma_wait3A_105 = arith.constant 0 : i32
    %dma_wait3A_106 = arith.constant 0 : i32
    %dma_wait3A_107 = tpu.memref_slice %arg6[%dma_wait3A_102, %dma_wait3A_105, %dma_wait3A_106] : memref<10x64x128xf32, #tpu.memory_space<vmem>> -> memref<1x64x128xf32, #tpu.memory_space<vmem>>
    %dma_wait3A_108 = tpu.memref_squeeze %dma_wait3A_107 : memref<1x64x128xf32, #tpu.memory_space<vmem>> -> memref<64x128xf32, #tpu.memory_space<vmem>>
    %dma_wait3A_109 = arith.constant 0 : i32
    %dma_wait3A_110 = tpu.memref_slice %arg4[%dma_wait3A_103, %mul3A_2, %dma_wait3A_109] : memref<50x4096x128xf32, #tpu.memory_space<hbm>> -> memref<1x64x128xf32, #tpu.memory_space<hbm>>
    %dma_wait3A_111 = tpu.memref_squeeze %dma_wait3A_110 : memref<1x64x128xf32, #tpu.memory_space<hbm>> -> memref<64x128xf32, #tpu.memory_space<hbm>>
    %dma_wait3A_112 = tpu.memref_slice %arg8[%dma_wait3A_104] : memref<10x!tpu.dma_semaphore, #tpu.memory_space<semaphore_mem>> -> memref<1x!tpu.dma_semaphore, #tpu.memory_space<semaphore_mem>>
    %dma_wait3A_113 = tpu.memref_squeeze %dma_wait3A_112 : memref<1x!tpu.dma_semaphore, #tpu.memory_space<semaphore_mem>> -> memref<!tpu.dma_semaphore, #tpu.memory_space<semaphore_mem>>
    %dma_wait3A_114 = arith.constant 0 : i32
    %dma_wait3A_115 = tpu.memref_slice %arg4[%dma_wait3A_103, %mul3A_2, %dma_wait3A_114] : memref<50x4096x128xf32, #tpu.memory_space<hbm>> -> memref<1x64x128xf32, #tpu.memory_space<hbm>>
    %dma_wait3A_116 = tpu.memref_squeeze %dma_wait3A_115 : memref<1x64x128xf32, #tpu.memory_space<hbm>> -> memref<64x128xf32, #tpu.memory_space<hbm>>
    %dma_wait3A_117 = arith.constant 0 : i32
    %dma_wait3A_118 = arith.constant 0 : i32
    %dma_wait3A_119 = tpu.memref_slice %arg6[%dma_wait3A_102, %dma_wait3A_117, %dma_wait3A_118] : memref<10x64x128xf32, #tpu.memory_space<vmem>> -> memref<1x64x128xf32, #tpu.memory_space<vmem>>
    %dma_wait3A_120 = tpu.memref_squeeze %dma_wait3A_119 : memref<1x64x128xf32, #tpu.memory_space<vmem>> -> memref<64x128xf32, #tpu.memory_space<vmem>>
    tpu.wait_dma2 semaphore(%dma_wait3A_113 : memref<!tpu.dma_semaphore, #tpu.memory_space<semaphore_mem>>) src(%dma_wait3A_120 : memref<64x128xf32, #tpu.memory_space<vmem>>) dst(%dma_wait3A_116 : memref<64x128xf32, #tpu.memory_space<hbm>>)
    %dma_wait3A_121 = arith.constant 6 : i32
    %dma_wait3A_122 = arith.constant 0 : i32
    %dma_wait3A_123 = arith.constant 6 : i32
    %dma_wait3A_124 = arith.constant 0 : i32
    %dma_wait3A_125 = arith.constant 0 : i32
    %dma_wait3A_126 = tpu.memref_slice %arg6[%dma_wait3A_121, %dma_wait3A_124, %dma_wait3A_125] : memref<10x64x128xf32, #tpu.memory_space<vmem>> -> memref<1x64x128xf32, #tpu.memory_space<vmem>>
    %dma_wait3A_127 = tpu.memref_squeeze %dma_wait3A_126 : memref<1x64x128xf32, #tpu.memory_space<vmem>> -> memref<64x128xf32, #tpu.memory_space<vmem>>
    %dma_wait3A_128 = arith.constant 0 : i32
    %dma_wait3A_129 = tpu.memref_slice %arg4[%dma_wait3A_122, %mul3A_2, %dma_wait3A_128] : memref<50x4096x128xf32, #tpu.memory_space<hbm>> -> memref<1x64x128xf32, #tpu.memory_space<hbm>>
    %dma_wait3A_130 = tpu.memref_squeeze %dma_wait3A_129 : memref<1x64x128xf32, #tpu.memory_space<hbm>> -> memref<64x128xf32, #tpu.memory_space<hbm>>
    %dma_wait3A_131 = tpu.memref_slice %arg8[%dma_wait3A_123] : memref<10x!tpu.dma_semaphore, #tpu.memory_space<semaphore_mem>> -> memref<1x!tpu.dma_semaphore, #tpu.memory_space<semaphore_mem>>
    %dma_wait3A_132 = tpu.memref_squeeze %dma_wait3A_131 : memref<1x!tpu.dma_semaphore, #tpu.memory_space<semaphore_mem>> -> memref<!tpu.dma_semaphore, #tpu.memory_space<semaphore_mem>>
    %dma_wait3A_133 = arith.constant 0 : i32
    %dma_wait3A_134 = tpu.memref_slice %arg4[%dma_wait3A_122, %mul3A_2, %dma_wait3A_133] : memref<50x4096x128xf32, #tpu.memory_space<hbm>> -> memref<1x64x128xf32, #tpu.memory_space<hbm>>
    %dma_wait3A_135 = tpu.memref_squeeze %dma_wait3A_134 : memref<1x64x128xf32, #tpu.memory_space<hbm>> -> memref<64x128xf32, #tpu.memory_space<hbm>>
    %dma_wait3A_136 = arith.constant 0 : i32
    %dma_wait3A_137 = arith.constant 0 : i32
    %dma_wait3A_138 = tpu.memref_slice %arg6[%dma_wait3A_121, %dma_wait3A_136, %dma_wait3A_137] : memref<10x64x128xf32, #tpu.memory_space<vmem>> -> memref<1x64x128xf32, #tpu.memory_space<vmem>>
    %dma_wait3A_139 = tpu.memref_squeeze %dma_wait3A_138 : memref<1x64x128xf32, #tpu.memory_space<vmem>> -> memref<64x128xf32, #tpu.memory_space<vmem>>
    tpu.wait_dma2 semaphore(%dma_wait3A_132 : memref<!tpu.dma_semaphore, #tpu.memory_space<semaphore_mem>>) src(%dma_wait3A_139 : memref<64x128xf32, #tpu.memory_space<vmem>>) dst(%dma_wait3A_135 : memref<64x128xf32, #tpu.memory_space<hbm>>)
    %dma_wait3A_140 = arith.constant 7 : i32
    %dma_wait3A_141 = arith.constant 0 : i32
    %dma_wait3A_142 = arith.constant 7 : i32
    %dma_wait3A_143 = arith.constant 0 : i32
    %dma_wait3A_144 = arith.constant 0 : i32
    %dma_wait3A_145 = tpu.memref_slice %arg6[%dma_wait3A_140, %dma_wait3A_143, %dma_wait3A_144] : memref<10x64x128xf32, #tpu.memory_space<vmem>> -> memref<1x64x128xf32, #tpu.memory_space<vmem>>
    %dma_wait3A_146 = tpu.memref_squeeze %dma_wait3A_145 : memref<1x64x128xf32, #tpu.memory_space<vmem>> -> memref<64x128xf32, #tpu.memory_space<vmem>>
    %dma_wait3A_147 = arith.constant 0 : i32
    %dma_wait3A_148 = tpu.memref_slice %arg4[%dma_wait3A_141, %mul3A_2, %dma_wait3A_147] : memref<50x4096x128xf32, #tpu.memory_space<hbm>> -> memref<1x64x128xf32, #tpu.memory_space<hbm>>
    %dma_wait3A_149 = tpu.memref_squeeze %dma_wait3A_148 : memref<1x64x128xf32, #tpu.memory_space<hbm>> -> memref<64x128xf32, #tpu.memory_space<hbm>>
    %dma_wait3A_150 = tpu.memref_slice %arg8[%dma_wait3A_142] : memref<10x!tpu.dma_semaphore, #tpu.memory_space<semaphore_mem>> -> memref<1x!tpu.dma_semaphore, #tpu.memory_space<semaphore_mem>>
    %dma_wait3A_151 = tpu.memref_squeeze %dma_wait3A_150 : memref<1x!tpu.dma_semaphore, #tpu.memory_space<semaphore_mem>> -> memref<!tpu.dma_semaphore, #tpu.memory_space<semaphore_mem>>
    %dma_wait3A_152 = arith.constant 0 : i32
    %dma_wait3A_153 = tpu.memref_slice %arg4[%dma_wait3A_141, %mul3A_2, %dma_wait3A_152] : memref<50x4096x128xf32, #tpu.memory_space<hbm>> -> memref<1x64x128xf32, #tpu.memory_space<hbm>>
    %dma_wait3A_154 = tpu.memref_squeeze %dma_wait3A_153 : memref<1x64x128xf32, #tpu.memory_space<hbm>> -> memref<64x128xf32, #tpu.memory_space<hbm>>
    %dma_wait3A_155 = arith.constant 0 : i32
    %dma_wait3A_156 = arith.constant 0 : i32
    %dma_wait3A_157 = tpu.memref_slice %arg6[%dma_wait3A_140, %dma_wait3A_155, %dma_wait3A_156] : memref<10x64x128xf32, #tpu.memory_space<vmem>> -> memref<1x64x128xf32, #tpu.memory_space<vmem>>
    %dma_wait3A_158 = tpu.memref_squeeze %dma_wait3A_157 : memref<1x64x128xf32, #tpu.memory_space<vmem>> -> memref<64x128xf32, #tpu.memory_space<vmem>>
    tpu.wait_dma2 semaphore(%dma_wait3A_151 : memref<!tpu.dma_semaphore, #tpu.memory_space<semaphore_mem>>) src(%dma_wait3A_158 : memref<64x128xf32, #tpu.memory_space<vmem>>) dst(%dma_wait3A_154 : memref<64x128xf32, #tpu.memory_space<hbm>>)
    %dma_wait3A_159 = arith.constant 8 : i32
    %dma_wait3A_160 = arith.constant 0 : i32
    %dma_wait3A_161 = arith.constant 8 : i32
    %dma_wait3A_162 = arith.constant 0 : i32
    %dma_wait3A_163 = arith.constant 0 : i32
    %dma_wait3A_164 = tpu.memref_slice %arg6[%dma_wait3A_159, %dma_wait3A_162, %dma_wait3A_163] : memref<10x64x128xf32, #tpu.memory_space<vmem>> -> memref<1x64x128xf32, #tpu.memory_space<vmem>>
    %dma_wait3A_165 = tpu.memref_squeeze %dma_wait3A_164 : memref<1x64x128xf32, #tpu.memory_space<vmem>> -> memref<64x128xf32, #tpu.memory_space<vmem>>
    %dma_wait3A_166 = arith.constant 0 : i32
    %dma_wait3A_167 = tpu.memref_slice %arg4[%dma_wait3A_160, %mul3A_2, %dma_wait3A_166] : memref<50x4096x128xf32, #tpu.memory_space<hbm>> -> memref<1x64x128xf32, #tpu.memory_space<hbm>>
    %dma_wait3A_168 = tpu.memref_squeeze %dma_wait3A_167 : memref<1x64x128xf32, #tpu.memory_space<hbm>> -> memref<64x128xf32, #tpu.memory_space<hbm>>
    %dma_wait3A_169 = tpu.memref_slice %arg8[%dma_wait3A_161] : memref<10x!tpu.dma_semaphore, #tpu.memory_space<semaphore_mem>> -> memref<1x!tpu.dma_semaphore, #tpu.memory_space<semaphore_mem>>
    %dma_wait3A_170 = tpu.memref_squeeze %dma_wait3A_169 : memref<1x!tpu.dma_semaphore, #tpu.memory_space<semaphore_mem>> -> memref<!tpu.dma_semaphore, #tpu.memory_space<semaphore_mem>>
    %dma_wait3A_171 = arith.constant 0 : i32
    %dma_wait3A_172 = tpu.memref_slice %arg4[%dma_wait3A_160, %mul3A_2, %dma_wait3A_171] : memref<50x4096x128xf32, #tpu.memory_space<hbm>> -> memref<1x64x128xf32, #tpu.memory_space<hbm>>
    %dma_wait3A_173 = tpu.memref_squeeze %dma_wait3A_172 : memref<1x64x128xf32, #tpu.memory_space<hbm>> -> memref<64x128xf32, #tpu.memory_space<hbm>>
    %dma_wait3A_174 = arith.constant 0 : i32
    %dma_wait3A_175 = arith.constant 0 : i32
    %dma_wait3A_176 = tpu.memref_slice %arg6[%dma_wait3A_159, %dma_wait3A_174, %dma_wait3A_175] : memref<10x64x128xf32, #tpu.memory_space<vmem>> -> memref<1x64x128xf32, #tpu.memory_space<vmem>>
    %dma_wait3A_177 = tpu.memref_squeeze %dma_wait3A_176 : memref<1x64x128xf32, #tpu.memory_space<vmem>> -> memref<64x128xf32, #tpu.memory_space<vmem>>
    tpu.wait_dma2 semaphore(%dma_wait3A_170 : memref<!tpu.dma_semaphore, #tpu.memory_space<semaphore_mem>>) src(%dma_wait3A_177 : memref<64x128xf32, #tpu.memory_space<vmem>>) dst(%dma_wait3A_173 : memref<64x128xf32, #tpu.memory_space<hbm>>)
    %dma_wait3A_178 = arith.constant 9 : i32
    %dma_wait3A_179 = arith.constant 0 : i32
    %dma_wait3A_180 = arith.constant 9 : i32
    %dma_wait3A_181 = arith.constant 0 : i32
    %dma_wait3A_182 = arith.constant 0 : i32
    %dma_wait3A_183 = tpu.memref_slice %arg6[%dma_wait3A_178, %dma_wait3A_181, %dma_wait3A_182] : memref<10x64x128xf32, #tpu.memory_space<vmem>> -> memref<1x64x128xf32, #tpu.memory_space<vmem>>
    %dma_wait3A_184 = tpu.memref_squeeze %dma_wait3A_183 : memref<1x64x128xf32, #tpu.memory_space<vmem>> -> memref<64x128xf32, #tpu.memory_space<vmem>>
    %dma_wait3A_185 = arith.constant 0 : i32
    %dma_wait3A_186 = tpu.memref_slice %arg4[%dma_wait3A_179, %mul3A_2, %dma_wait3A_185] : memref<50x4096x128xf32, #tpu.memory_space<hbm>> -> memref<1x64x128xf32, #tpu.memory_space<hbm>>
    %dma_wait3A_187 = tpu.memref_squeeze %dma_wait3A_186 : memref<1x64x128xf32, #tpu.memory_space<hbm>> -> memref<64x128xf32, #tpu.memory_space<hbm>>
    %dma_wait3A_188 = tpu.memref_slice %arg8[%dma_wait3A_180] : memref<10x!tpu.dma_semaphore, #tpu.memory_space<semaphore_mem>> -> memref<1x!tpu.dma_semaphore, #tpu.memory_space<semaphore_mem>>
    %dma_wait3A_189 = tpu.memref_squeeze %dma_wait3A_188 : memref<1x!tpu.dma_semaphore, #tpu.memory_space<semaphore_mem>> -> memref<!tpu.dma_semaphore, #tpu.memory_space<semaphore_mem>>
    %dma_wait3A_190 = arith.constant 0 : i32
    %dma_wait3A_191 = tpu.memref_slice %arg4[%dma_wait3A_179, %mul3A_2, %dma_wait3A_190] : memref<50x4096x128xf32, #tpu.memory_space<hbm>> -> memref<1x64x128xf32, #tpu.memory_space<hbm>>
    %dma_wait3A_192 = tpu.memref_squeeze %dma_wait3A_191 : memref<1x64x128xf32, #tpu.memory_space<hbm>> -> memref<64x128xf32, #tpu.memory_space<hbm>>
    %dma_wait3A_193 = arith.constant 0 : i32
    %dma_wait3A_194 = arith.constant 0 : i32
    %dma_wait3A_195 = tpu.memref_slice %arg6[%dma_wait3A_178, %dma_wait3A_193, %dma_wait3A_194] : memref<10x64x128xf32, #tpu.memory_space<vmem>> -> memref<1x64x128xf32, #tpu.memory_space<vmem>>
    %dma_wait3A_196 = tpu.memref_squeeze %dma_wait3A_195 : memref<1x64x128xf32, #tpu.memory_space<vmem>> -> memref<64x128xf32, #tpu.memory_space<vmem>>
    tpu.wait_dma2 semaphore(%dma_wait3A_189 : memref<!tpu.dma_semaphore, #tpu.memory_space<semaphore_mem>>) src(%dma_wait3A_196 : memref<64x128xf32, #tpu.memory_space<vmem>>) dst(%dma_wait3A_192 : memref<64x128xf32, #tpu.memory_space<hbm>>)
    return
  }
}

</mosaic_0001>

<sc_bundles>
// kernel: _embed_lookup.3.cloned.1.call-start
scs
__scs_entry_jumppad:
0x0: {  	(pc) =	sbr.rel $0x88, $3  }
0x1: {  	(tag) =	ssettag $0x0;
	lr =	simm.s32 $0x1  }
0x2: {  	[smem:$0x3F9F] =	sst lr;
	_ =	strace $0xD0000000  }
0x3: {  	_ = 	snop  }
0x4: {  	_ = 	snop  }
0x5: {  	_ = 	snop  }
0x6: {  	_ = 	snop  }
0x7: {  	_ = 	snop  }
__scs_overlays_trampoline_lowered:
0x8: {  	[smem:$0x3FAE] =	sst s0  }
0x9: {  	[smem:$0x3FAF] =	sst s1  }
0xa: {  	[smem:$0x3FB0] =	sst s2  }
0xb: {  	[smem:$0x3FB1] =	sst s3  }
0xc: {  	[smem:$0x3FB2] =	sst s4  }
0xd: {  	[smem:$0x3FB3] =	sst s5  }
0xe: {  	[smem:$0x3FB4] =	sst s6  }
0xf: {  	[smem:$0x3FB5] =	sst s7  }
0x10: {  	[smem:$0x3FB6] =	sst s8  }
0x11: {  	[smem:$0x3FB7] =	sst s9;
	s0 =	simm.s32 @!p0 $0x0  }
0x12: {  	s1 =	sld [smem:$0x3F9D];
	s0 =	simm.s32 @p0 $0x1  }
0x13: {  	[smem:$0x3FB8] =	sst s0;
	s0 =	simm.s32 @!p1 $0x0  }
0x14: {  	s2 =	sld [smem:$0x3F9C];
	s0 =	simm.s32 @p1 $0x1  }
0x15: {  	[smem:$0x3FB9] =	sst s0;
	s0 =	simm.s32 @!p2 $0x0  }
0x16: {  	s3 =	sld [smem:$0x3FDB];
	s0 =	simm.s32 @p2 $0x1  }
0x17: {  	s4 =	simm.s32 $0x1BF5;
	[smem:$0x3FBB] =	sst s0  }
0x18: {  	s0 =	sld [smem:$0x3F9E];
	_ =	swait.ge [sflag:s4], $0x0  }
0x19: {  	s7 =	sld [smem:$0x3F9F]  }
0x1a: {  	s8 =	sadd.s32 $0xFFFFE003, lr  }
0x1b: {  	s9 =	sadd.s32 $0xFFFFFEF7, lr;
	s5 =	simm.s32 $0xFFFFFFFF;
	p2 =	slt.u32 s8, $0xFFFFF086  }
0x1c: {  	p1 =	slt.u32 s9, $0xF7A;
	s5 =	simm.s32 @!p2 $0x0  }
0x1d: {  	s5 =	simm.s32 @p1 $0x1;
	p0 =	seq.s32 s7, s2  }
0x1e: {  	s7 =	smul.u32 @!p0 $0xF7A, s2;
	p2 =	seq.s32 @!p0 s5, $0x0  }
0x1f: {  	s9 =	smul.u32 $0xF7A, s1;
	s8 =	simm.s32 @!p0 $0x1BF5;
	p2 =	por !p2, p0  }
0x20: {  	[sflag:s8] =	ssyncset.s32 @!p0 $0xFFFFF086;
	s6 =	sadd.s32 @!p0 s3, s7;
	s7 =	simm.s32 @!p0 $0x108  }
0x21: {  	s3 =	sadd.s32 s3, s9;
	s6 =	sadd.s32 @!p0 $0x88, s6;
	s7 =	simm.s32 @p2 $0x1082  }
0x22: {  	[simem:s7], [sflag:s8] =	dma.local @!p0 [hbm:s6], $0xF7A  }
0x23: {  	s9 =	sor.u32 $0xD0000000, s2;
	s6 =	simm.s32 $0x108;
	_ =	swait.ge @!p0 [sflag:s8], $0x0  }
0x24: {  	s3 =	sadd.s32 $0x88, s3;
	s6 =	simm.s32 @!p1 $0x1082;
	[sflag:s4] =	ssyncset.s32 $0xFFFFF086  }
0x25: {  	[simem:s6], [sflag:s4] =	dma.local [hbm:s3], $0xF7A  }
0x26: {  	[smem:$0x3F9F] =	sst s1;
	(tag) =	ssettag s2;
	_ =	strace s9  }
0x27: {  	s1 =	sld [smem:$0x3FAF]  }
0x28: {  	s2 =	sld [smem:$0x3FB0]  }
0x29: {  	s4 =	sld [smem:$0x3FB2]  }
0x2a: {  	p0 =	seq.s32 s5, $0x0;
	s5 =	sld [smem:$0x3FB3]  }
0x2b: {  	s6 =	sld [smem:$0x3FB4]  }
0x2c: {  	s7 =	sld [smem:$0x3FB5]  }
0x2d: {  	s3 =	simm.s32 $0x108;
	s8 =	sld [smem:$0x3FB6]  }
0x2e: {  	s3 =	simm.s32 @!p0 $0x1082;
	s9 =	sld [smem:$0x3FB7]  }
0x2f: {  	lr =	sadd.s32 s0, s3;
	s0 =	sld [smem:$0x3FAE]  }
0x30: {  	s3 =	sld [smem:$0x3FB1]  }
0x31: {  	[smem:$0x3FBA] =	sst s10  }
0x32: {  	s10 =	sld [smem:$0x3FB8];
	_ =	sdelay $0x3  }
0x33: {  	p0 =	seq.s32 s10, $0x1;
	s10 =	sld [smem:$0x3FBA];
	_ =	sdelay $0x3  }
0x34: {  	[smem:$0x3FBA] =	sst s10  }
0x35: {  	s10 =	sld [smem:$0x3FB9];
	_ =	sdelay $0x3  }
0x36: {  	p1 =	seq.s32 s10, $0x1;
	s10 =	sld [smem:$0x3FBA];
	_ =	sdelay $0x3  }
0x37: {  	[smem:$0x3FBA] =	sst s10  }
0x38: {  	s10 =	sld [smem:$0x3FBB]  }
0x39: {  	_ = 	snop;
	(pc) =	sbr.ind lr, $3  }
0x3a: {  	_ = 	snop  }
0x3b: {  	_ = 	snop  }
0x3c: {  	p2 =	seq.s32 s10, $0x1;
	s10 =	sld [smem:$0x3FBA]  }
0x3d: {  	_ =	shalt  }
0x3e: {  	_ =	shalt  }
0x3f: {  	_ =	shalt  }
0x40: {  	_ =	shalt  }
0x41: {  	_ =	shalt  }
0x42: {  	_ =	shalt  }
0x43: {  	_ =	shalt  }
0x44: {  	_ =	shalt  }
0x45: {  	_ =	shalt  }
0x46: {  	_ =	shalt  }
0x47: {  	_ =	shalt  }
0x48: {  	_ =	shalt  }
0x49: {  	_ =	shalt  }
0x4a: {  	_ =	shalt  }
0x4b: {  	_ =	shalt  }
0x4c: {  	_ =	shalt  }
0x4d: {  	_ =	shalt  }
0x4e: {  	_ =	shalt  }
0x4f: {  	_ =	shalt  }
0x50: {  	_ =	shalt  }
0x51: {  	_ =	shalt  }
0x52: {  	_ =	shalt  }
0x53: {  	_ =	shalt  }
0x54: {  	_ =	shalt  }
0x55: {  	_ =	shalt  }
0x56: {  	_ =	shalt  }
0x57: {  	_ =	shalt  }
0x58: {  	_ =	shalt  }
0x59: {  	_ =	shalt  }
0x5a: {  	_ =	shalt  }
0x5b: {  	_ =	shalt  }
0x5c: {  	_ =	shalt  }
0x5d: {  	_ =	shalt  }
0x5e: {  	_ =	shalt  }
0x5f: {  	_ =	shalt  }
0x60: {  	_ =	shalt  }
0x61: {  	_ =	shalt  }
0x62: {  	_ =	shalt  }
0x63: {  	_ =	shalt  }
0x64: {  	_ =	shalt  }
0x65: {  	_ =	shalt  }
0x66: {  	_ =	shalt  }
0x67: {  	_ =	shalt  }
0x68: {  	_ =	shalt  }
0x69: {  	_ =	shalt  }
0x6a: {  	_ =	shalt  }
0x6b: {  	_ =	shalt  }
0x6c: {  	_ =	shalt  }
0x6d: {  	_ =	shalt  }
0x6e: {  	_ =	shalt  }
0x6f: {  	_ =	shalt  }
0x70: {  	_ =	shalt  }
0x71: {  	_ =	shalt  }
0x72: {  	_ =	shalt  }
0x73: {  	_ =	shalt  }
0x74: {  	_ =	shalt  }
0x75: {  	_ =	shalt  }
0x76: {  	_ =	shalt  }
0x77: {  	_ =	shalt  }
0x78: {  	_ =	shalt  }
0x79: {  	_ =	shalt  }
0x7a: {  	_ =	shalt  }
0x7b: {  	_ =	shalt  }
0x7c: {  	_ =	shalt  }
0x7d: {  	_ =	shalt  }
0x7e: {  	_ =	shalt  }
0x7f: {  	_ =	shalt  }
0x80: {  	_ =	shalt  }
0x81: {  	_ =	shalt  }
0x82: {  	_ =	shalt  }
0x83: {  	_ =	shalt  }
0x84: {  	_ =	shalt  }
0x85: {  	_ =	shalt  }
0x86: {  	_ =	shalt  }
0x87: {  	_ =	shalt  }
.Lfunc_end0:
.L_simem_size_0:
called_computation_lowered:
.L_overlay_start_0:
0x88: {  	s2 =	sld [smem:$0x3FD9]  }
0x89: {  	s3 =	sld [smem:$0x3FFE];
	_ =	sdelay $0x1  }
0x8a: {  	s1 =	srdreg.scid  }
0x8b: {  	s0 =	sand.u32 $0x1, s1  }
0x8c: {  	s18 =	sshll.u32 s0, $0xA;
	s2 =	sadd.s32 s3, s2  }
0x8d: {  	s2 =	sadd.s32 s2, s18  }
0x8e: {  	[smem:$0x3FC6] =	sst s2  }
0x8f: {  	_ = 	snop  }
0x90: {  	s2 =	sld [smem:$0x3FC9]  }
0x91: {  	s19 =	sld [smem:$0x3FC8]  }
0x92: {  	s4 =	sld [smem:$0x3FD0];
	(tm) =	ssettm $0x1  }
0x93: {  	s5 =	sld [smem:$0x3FFB];
	_ =	sdelay $0x3  }
0x94: {  	_ =	strace s5  }
0x95: {  	s5 =	sld [smem:$0x3FFC];
	_ =	sdelay $0x3  }
0x96: {  	_ =	strace s5  }
0x97: {  	s5 =	sld [smem:$0x3FFD];
	_ =	sdelay $0x3  }
0x98: {  	_ =	strace s5  }
0x99: {  	_ =	strace $0x8FFFFFFF  }
0x9a: {  	s20 =	sld [smem:$0x3FDB];
	_ =	sdelay $0x1  }
0x9b: {  	s6 =	simm.s32 $_scs_section_size  }
0x9c: {  	s7 =	simm.s32 $_size__tile_overlayer_lowered;
	s8 =	simm.s32 $_tile_overlayer_lowered  }
0x9d: {  	s23 =	simm.s32 $0x1BFF;
	s22 =	sshll.u32 s8, $0x1;
	s5 =	sadd.s32 s6, s20  }
0x9e: {  	s9 =	simm.s32 $0x0;
	s21 =	sshll.u32 s7, $0x1;
	s7 =	sadd.s32 s22, s5  }
0x9f: {  	[timem:s9], [sflag:s23] =	dma.local [hbm:s7], s21  }
0xa0: {  	_ =	swait.ge [sflag:s23], s21  }
0xa1: {  	s6 =	ssub.s32 $0x0, s21;
	[sflag:s23] =	ssyncset.done $0x0  }
0xa2: {  	[sflag:s23] =	ssyncadd.s32 s6;
	_ =	sdelay $0x1  }
0xa3: {  	s24 =	simm.s32 $0x1B8B  }
0xa4: {  	_ =	swait.ge [sflag:s24], $0x1  }
0xa5: {  	[sflag:s24] =	ssyncset.done $0x0  }
0xa6: {  	s25 =	simm.s32 $0x1B8E;
	[sflag:s24] =	ssyncadd.s32 $0xFFFFFFFF  }
0xa7: {  	s26 =	simm.s32 $execute0_lowered;
	[smem:$0x3FD2] =	sst s25  }
0xa8: {  	s6 =	sshll.u32 s26, $0x1;
	_ =	strace $0x80000046;
	[dreg:$0x1] =	wrdreg $0xFFFFFFFF  }
0xa9: {  	s28 =	simm.s32 $_size_execute0_lowered;
	s5 =	sadd.s32 s5, s6;
	[dreg:$0x0] =	wrdreg $0x0  }
0xaa: {  	s6 =	sshll.u32 s28, $0x1;
	[dreg:$0x2] =	wrdreg s5  }
0xab: {  	[dreg:$0x3] =	wrdreg s6  }
0xac: {  	[dreg:$0x4] =	wrdreg $0xC0  }
0xad: {  	_ =	task [dreg:s9], $0x5FFFF  }
0xae: {  	[dreg:$0x1] =	wrdreg $0xFFFFFFFF  }
0xaf: {  	[dreg:$0x0] =	wrdreg $0x60  }
0xb0: {  	[dreg:$0x2] =	wrdreg s2  }
0xb1: {  	[dreg:$0x3] =	wrdreg s19  }
0xb2: {  	[dreg:$0x4] =	wrdreg s4  }
0xb3: {  	[dreg:$0x5] =	wrdreg $0x9  }
0xb4: {  	_ =	task.clear_ibuf [dreg:s9], $0x6FFFF;
	_ =	strace $0x90000046  }
0xb5: {  	s29 =	simm.s32 $0x9;
	_ =	strace $0x80000048  }
0xb6: {  	_ =	swait.ge [sflag:s29], $0x1  }
0xb7: {  	[sflag:s29] =	ssyncadd.s32 $0xFFFFFFFF  }
0xb8: {  	_ =	strace $0x90000048  }
0xb9: {  	_ =	sfence  }
0xba: {  	s30 =	sld [smem:$0x0];
	_ =	sdelay $0x2  }
0xbb: {  	s31 =	sshll.u32 s1, $0xD;
	s1 =	sshrl.u32 s1, $0x2  }
0xbc: {  	s3 =	sand.u32 $0x4000, s31;
	s1 =	sadd.s32 s1, s30  }
0xbd: {  	s0 =	sor.u32 s3, s0;
	s1 =	sshll.u32 s1, $0x11  }
0xbe: {  	s0 =	sor.u32 s1, s0  }
0xbf: {  	s0 =	sadd.s32 $0x8F2B, s0  }
0xc0: {  	[sflag:s0] =	ssyncadd.remote.s32 $0x1  }
0xc1: {  	_ =	sfence.sel $0xFFFF  }
0xc2: {  	[dreg:$0x0] =	wrdreg $0xFFFFFFFF;
	(pc) =	sbr.abs _section_cstart, $3  }
0xc3: {  	[dreg:$0x1] =	wrdreg $0xFFFFFFFF  }
0xc4: {  	_ =	task.clear_ibuf [dreg:s9], $0x2FFFF;
	_ =	strace $0x9FFFFFFF  }
0xc5: {  	(tm) =	ssettm $0x7FFFFFFF  }
tec
execute0_lowered:
.L_overlay_start_1:
0x0: {  	(tag) =	ssettag $0x1  }
0x1: {  	s0 =	rddreg [dreg:$0x0]  }
0x2: {  	s1 =	rddreg [dreg:$0x1]  }
0x3: {  	s2 =	rddreg [dreg:$0x2]  }
0x4: {  	s4 =	srdreg.scid;
	s3 =	simm.s32 $0x0;
	s8 =	stileid.u32  }
0x5: {  	s16 =	simm.s32 $0x40;
	s20 =	simm.s32 $0x1C00;
	s29 =	simm.s32 $0x9C00  }
0x6: {  	s12 =	simm.s32 $0xDC00;
	s13 =	simm.s32 $0xFC00;
	s14 =	simm.s32 $0x11C00  }
0x7: {  	s10 =	simm.s32 $0x6;
	s11 =	simm.s32 $0x7;
	s15 =	simm.s32 $0x8  }
0x8: {  	s19 =	simm.s32 $0x9;
	s21 =	simm.s32 $0xA;
	s9 =	simm.s32 $0x0  }
0x9: {  	s4 =	sand.u32 $0x1, s4;
	[smem:$0x7FF] =	sst s3;
	s24 =	sshll.u32 s8, $0x8  }
0xa: {  	s25 =	sshll.u32 s8, $0xF;
	s5 =	ssub.s32 $0x2, s4;
	_ =	strace $0x80000047  }
0xb: {  	s7 =	sshll.u32 s4, $0x7;
	s4 =	sshll.u32 s4, $0xE;
	s6 =	sshrl.u32 s5, $0x1  }
0xc: {  	s28 =	sor.u32 s4, s25;
	s25 =	simm.s32 $0x5C00;
	s5 =	ssub.s32 s5, s6  }
0xd: {  	s6 =	sor.u32 s7, s24;
	s31 =	sor.u32 $0x2000, s28;
	s24 =	simm.s32 $0x3C00  }
0xe: {  	s26 =	sadd.s32 s0, s6;
	s6 =	sshll.u32 s6, $0x7;
	s5 =	smax.u32 s5, $0x1  }
.Ltmp0:
0xf: {  	s4 =	sshrl.u32 s31, $0x3;
	[dreg:$0x4] =	wrdreg s26;
	(pc) =	sbr.rel .LBB2_1-.Ltmp0, $4  }
0x10: {  	s0 =	sshrl.u32 s28, $0x3;
	s30 =	sadd.s32 $0x6000, s26;
	[dreg:$0x6] =	wrdreg s5  }
0x11: {  	s8 =	sor.u32 $0x2000, s6;
	s4 =	sadd.s32 s4, s2;
	[dreg:$0x5] =	wrdreg s30  }
0x12: {  	s0 =	sadd.s32 s0, s2;
	s26 =	simm.s32 $0x7C00;
	[dreg:$0x7] =	wrdreg s4  }
0x13: {  	s5 =	simm.s32 $0x5;
	[dreg:$0x8] =	wrdreg s0;
	s4 =	simm.s32 $0xBC00  }
.LBB2_6:
0x14: {  	s0 =	simm.s32 $0xB  }
0x15: {  	_ =	swait.ge [sflag:s0], $0x2000  }
0x16: {  	[sflag:s0] =	ssyncset.done $0x0  }
0x17: {  	s7 =	simm.s32 $0xC;
	[sflag:s0] =	ssyncadd.s32 $0xFFFFE000  }
0x18: {  	_ =	swait.ge [sflag:s7], $0x2000  }
0x19: {  	[sflag:s7] =	ssyncset.done $0x0  }
0x1a: {  	s9 =	simm.s32 $0xD;
	[sflag:s7] =	ssyncadd.s32 $0xFFFFE000  }
0x1b: {  	_ =	swait.ge [sflag:s9], $0x2000  }
0x1c: {  	[sflag:s9] =	ssyncset.done $0x0  }
0x1d: {  	s17 =	simm.s32 $0xE;
	[sflag:s9] =	ssyncadd.s32 $0xFFFFE000  }
0x1e: {  	_ =	swait.ge [sflag:s17], $0x2000  }
0x1f: {  	[sflag:s17] =	ssyncset.done $0x0  }
0x20: {  	s18 =	simm.s32 $0xF;
	[sflag:s17] =	ssyncadd.s32 $0xFFFFE000  }
0x21: {  	_ =	swait.ge [sflag:s18], $0x2000  }
0x22: {  	[sflag:s18] =	ssyncset.done $0x0  }
0x23: {  	s22 =	simm.s32 $0x10;
	[sflag:s18] =	ssyncadd.s32 $0xFFFFE000  }
0x24: {  	_ =	swait.ge [sflag:s22], $0x2000  }
0x25: {  	[sflag:s22] =	ssyncset.done $0x0  }
0x26: {  	s23 =	simm.s32 $0x11;
	[sflag:s22] =	ssyncadd.s32 $0xFFFFE000  }
0x27: {  	_ =	swait.ge [sflag:s23], $0x2000  }
0x28: {  	[sflag:s23] =	ssyncset.done $0x0  }
0x29: {  	s28 =	simm.s32 $0x12;
	[sflag:s23] =	ssyncadd.s32 $0xFFFFE000  }
0x2a: {  	_ =	swait.ge [sflag:s28], $0x2000  }
0x2b: {  	[sflag:s28] =	ssyncset.done $0x0  }
0x2c: {  	s30 =	simm.s32 $0x13;
	[sflag:s28] =	ssyncadd.s32 $0xFFFFE000  }
0x2d: {  	_ =	swait.ge [sflag:s30], $0x2000  }
0x2e: {  	[sflag:s30] =	ssyncset.done $0x0  }
0x2f: {  	s7 =	simm.s32 $0x14;
	[sflag:s30] =	ssyncadd.s32 $0xFFFFE000  }
0x30: {  	_ =	swait.ge [sflag:s7], $0x2000  }
0x31: {  	s9 =	rddreg [dreg:$0x9]  }
0x32: {  	s31 =	rddreg [dreg:$0x6];
	s9 =	sadd.s32 $0x1, s9  }
0x33: {  	p0 =	sne.s32 s9, s31  }
.Ltmp1:
0x34: {  	_ = 	snop;
	(pc) =	sbr.rel @!p0 .LBB2_7-.Ltmp1, $3  }
0x35: {  	_ =	sdelay $0x1  }
0x36: {  	[sflag:s7] =	ssyncset.done $0x0  }
0x37: {  	[sflag:s7] =	ssyncadd.s32 $0xFFFFE000  }
.LBB2_1:
0x38: {  	[dreg:$0x9] =	wrdreg s9  }
0x39: {  	s0 =	rddreg [dreg:$0x4]  }
0x3a: {  	s17 =	simm.s32 $0x400;
	s18 =	simm.s32 $0x8000;
	s22 =	rddreg [dreg:$0x5]  }
0x3b: {  	[tilespmem:s3], [sflag:$0x15] =	stream.strided.gather [hbm4b:s0+s17], $0x1800, s18, s17, $0x38;
	[tilespmem:$0x15C00] =	vst v63  }
.Ltmp2:
0x3c: {  	s23 =	simm.s32 $0x1800;
	s31 =	simm.s32 $0x15;
	(pc) =	sbr.rel .LBB2_2-.Ltmp2, $4  }
0x3d: {  	[tilespmem:s23], [sflag:$0x15] =	stream.linear.gather [hbm4b:s22+s3], $0x100, $0x38;
	[tilespmem:$0x15C00] =	vst v63  }
0x3e: {  	_ =	swait.ge [sflag:s31], $0x1900  }
0x3f: {  	s23 =	simm.s32 $0x200000;
	[sflag:s31] =	ssyncset.done $0x0;
	s28 =	rddreg [dreg:$0x8]  }
0x40: {  	s22 =	simm.s32 $0x800;
	s30 =	rddreg [dreg:$0x7];
	[sflag:s31] =	ssyncadd.s32 $0xFFFFE700  }
.LBB2_4:
0x41: {  	s7 =	simm.s32 $0xB  }
0x42: {  	_ =	swait.ge [sflag:s7], $0x2000  }
0x43: {  	s0 =	sshra.s32 s22, $0x2;
	[sflag:s7] =	ssyncset.done $0x0  }
0x44: {  	s18 =	simm.s32 $0xC;
	s17 =	sadd.s32 $0xFFFFFE00, s0;
	[sflag:s7] =	ssyncadd.s32 $0xFFFFE000  }
0x45: {  	[tilespmem:s20], [sflag:$0x1] =	stream.indirect.gather [hbm4b:s1+s16], $0x80, s17, s16, $0xb8;
	[tilespmem:$0x15C00] =	vst v63  }
0x46: {  	_ =	swait.ge [sflag:s18], $0x2000  }
0x47: {  	[sflag:s18] =	ssyncset.done $0x0  }
0x48: {  	s20 =	sadd.s32 $0xFFFFFE40, s0;
	[sflag:s18] =	ssyncadd.s32 $0xFFFFE000  }
0x49: {  	[tilespmem:s24], [sflag:$0x2] =	stream.indirect.gather [hbm4b:s1+s16], $0x80, s20, s16, $0xb8;
	[tilespmem:$0x15C00] =	vst v63  }
0x4a: {  	s24 =	simm.s32 $0xD  }
0x4b: {  	_ =	swait.ge [sflag:s24], $0x2000  }
0x4c: {  	[sflag:s24] =	ssyncset.done $0x0  }
0x4d: {  	s9 =	sadd.s32 $0xFFFFFE80, s0;
	s18 =	simm.s32 $0xE;
	[sflag:s24] =	ssyncadd.s32 $0xFFFFE000  }
0x4e: {  	[tilespmem:s25], [sflag:$0x3] =	stream.indirect.gather [hbm4b:s1+s16], $0x80, s9, s16, $0xb8;
	[tilespmem:$0x15C00] =	vst v63  }
0x4f: {  	_ =	swait.ge [sflag:s18], $0x2000  }
0x50: {  	[sflag:s18] =	ssyncset.done $0x0  }
0x51: {  	s20 =	sadd.s32 $0xFFFFFEC0, s0;
	s24 =	simm.s32 $0xF;
	[sflag:s18] =	ssyncadd.s32 $0xFFFFE000  }
0x52: {  	[tilespmem:s26], [sflag:$0x4] =	stream.indirect.gather [hbm4b:s1+s16], $0x80, s20, s16, $0xb8;
	[tilespmem:$0x15C00] =	vst v63  }
0x53: {  	_ =	swait.ge [sflag:s24], $0x2000  }
0x54: {  	[sflag:s24] =	ssyncset.done $0x0  }
0x55: {  	s25 =	sadd.s32 $0xFFFFFF00, s0;
	s26 =	simm.s32 $0x10;
	[sflag:s24] =	ssyncadd.s32 $0xFFFFE000  }
0x56: {  	[tilespmem:s29], [sflag:$0x5] =	stream.indirect.gather [hbm4b:s1+s16], $0x80, s25, s16, $0xb8;
	[tilespmem:$0x15C00] =	vst v63  }
0x57: {  	_ =	swait.ge [sflag:s26], $0x2000  }
0x58: {  	[sflag:s26] =	ssyncset.done $0x0  }
0x59: {  	s17 =	simm.s32 $0x11;
	s9 =	sadd.s32 $0xFFFFFF40, s0;
	[sflag:s26] =	ssyncadd.s32 $0xFFFFE000  }
0x5a: {  	[tilespmem:s4], [sflag:$0x6] =	stream.indirect.gather [hbm4b:s1+s16], $0x80, s9, s16, $0xb8;
	[tilespmem:$0x15C00] =	vst v63  }
0x5b: {  	_ =	swait.ge [sflag:s17], $0x2000  }
0x5c: {  	[sflag:s17] =	ssyncset.done $0x0  }
0x5d: {  	s18 =	sadd.s32 $0xFFFFFF80, s0;
	s20 =	simm.s32 $0x12;
	[sflag:s17] =	ssyncadd.s32 $0xFFFFE000  }
0x5e: {  	[tilespmem:s12], [sflag:$0x7] =	stream.indirect.gather [hbm4b:s1+s16], $0x80, s18, s16, $0xb8;
	[tilespmem:$0x15C00] =	vst v63  }
0x5f: {  	s31 =	simm.s32 $0x7C00;
	_ =	swait.ge [sflag:s20], $0x2000  }
0x60: {  	s7 =	simm.s32 $0x11C00;
	s24 =	sadd.s32 $0xFFFFFFC0, s0;
	[sflag:s20] =	ssyncset.done $0x0  }
0x61: {  	s25 =	simm.s32 $0x13;
	s29 =	simm.s32 $0x5C00;
	[sflag:s20] =	ssyncadd.s32 $0xFFFFE000  }
0x62: {  	[tilespmem:s13], [sflag:$0x8] =	stream.indirect.gather [hbm4b:s1+s16], $0x80, s24, s16, $0xb8;
	[tilespmem:$0x15C00] =	vst v63  }
0x63: {  	s26 =	simm.s32 $0x14;
	s4 =	simm.s32 $0x9C00;
	_ =	swait.ge [sflag:s25], $0x2000  }
0x64: {  	s17 =	sadd.s32 $0xFFF80000, s23;
	s18 =	sadd.s32 $0xFFF00000, s23;
	[sflag:s25] =	ssyncset.done $0x0  }
0x65: {  	s12 =	simm.s32 $0xBC00;
	s20 =	sadd.s32 $0xFFE80000, s23;
	[sflag:s25] =	ssyncadd.s32 $0xFFFFE000  }
0x66: {  	[tilespmem:s14], [sflag:$0x9] =	stream.indirect.gather [hbm4b:s1+s16], $0x80, s0, s16, $0xb8;
	[tilespmem:$0x15C00] =	vst v63  }
0x67: {  	s24 =	simm.s32 $0x1C00;
	s13 =	simm.s32 $0xDC00;
	_ =	swait.ge [sflag:s26], $0x2000  }
0x68: {  	s25 =	smov.u32 s22;
	s14 =	simm.s32 $0xFC00;
	[sflag:s26] =	ssyncset.done $0x0  }
0x69: {  	s0 =	smov.u32 s23;
	[sflag:s26] =	ssyncadd.s32 $0xFFFFE000;
	s26 =	simm.s32 $0x3C00  }
.LBB2_5:
0x6a: {  	s25 =	sshra.s32 s25, $0x2  }
0x6b: {  	s9 =	simm.s32 $0x13C00;
	s25 =	sadd.s32 $0x40, s25  }
0x6c: {  	[tilespmem:s9], [sflag:$0xA] =	stream.indirect.gather [hbm4b:s1+s16], $0x80, s25, s16, $0xb8;
	[tilespmem:$0x15C00] =	vst v63  }
0x6d: {  	s25 =	simm.s32 $0x1  }
0x6e: {  	_ =	swait.ge [sflag:s25], $0x2000  }
0x6f: {  	[sflag:s25] =	ssyncset.done $0x0  }
0x70: {  	[sflag:s25] =	ssyncadd.s32 $0xFFFFE000;
	s25 =	simm.s32 $0x2  }
0x71: {  	[hbm4b:s28+s3] =	stream.linear.scatter [tilespmem:s24], [sflag:$0xB], $0x2000, $0x38;
	[tilespmem:$0x15C00] =	vst v63  }
0x72: {  	_ =	swait.ge [sflag:s25], $0x2000  }
0x73: {  	[sflag:s25] =	ssyncset.done $0x0  }
0x74: {  	s24 =	simm.s32 $0x3;
	[sflag:s25] =	ssyncadd.s32 $0xFFFFE000  }
0x75: {  	[hbm4b:s30+s3] =	stream.linear.scatter [tilespmem:s26], [sflag:$0xC], $0x2000, $0x38;
	[tilespmem:$0x15C00] =	vst v63  }
0x76: {  	s26 =	sor.u32 s6, s20;
	_ =	swait.ge [sflag:s24], $0x2000  }
0x77: {  	s25 =	sshrl.u32 s26, $0x3;
	[sflag:s24] =	ssyncset.done $0x0  }
0x78: {  	s25 =	sadd.s32 s2, s25;
	[sflag:s24] =	ssyncadd.s32 $0xFFFFE000  }
0x79: {  	[hbm4b:s25+s3] =	stream.linear.scatter [tilespmem:s29], [sflag:$0xD], $0x2000, $0x38;
	[tilespmem:$0x15C00] =	vst v63  }
0x7a: {  	s25 =	simm.s32 $0x4  }
0x7b: {  	s26 =	sor.u32 s8, s20;
	_ =	swait.ge [sflag:s25], $0x2000  }
0x7c: {  	s20 =	sshrl.u32 s26, $0x3;
	[sflag:s25] =	ssyncset.done $0x0  }
0x7d: {  	s20 =	sadd.s32 s2, s20;
	[sflag:s25] =	ssyncadd.s32 $0xFFFFE000  }
0x7e: {  	[hbm4b:s20+s3] =	stream.linear.scatter [tilespmem:s31], [sflag:$0xE], $0x2000, $0x38;
	[tilespmem:$0x15C00] =	vst v63  }
0x7f: {  	s31 =	sor.u32 s6, s18;
	_ =	swait.ge [sflag:s5], $0x2000  }
0x80: {  	s20 =	sshrl.u32 s31, $0x3;
	[sflag:s5] =	ssyncset.done $0x0  }
0x81: {  	s20 =	sadd.s32 s2, s20;
	[sflag:s5] =	ssyncadd.s32 $0xFFFFE000  }
0x82: {  	[hbm4b:s20+s3] =	stream.linear.scatter [tilespmem:s4], [sflag:$0xF], $0x2000, $0x38;
	[tilespmem:$0x15C00] =	vst v63  }
0x83: {  	s20 =	sor.u32 s8, s18;
	_ =	swait.ge [sflag:s10], $0x2000  }
0x84: {  	s18 =	sshrl.u32 s20, $0x3;
	[sflag:s10] =	ssyncset.done $0x0  }
0x85: {  	s18 =	sadd.s32 s2, s18;
	[sflag:s10] =	ssyncadd.s32 $0xFFFFE000  }
0x86: {  	[hbm4b:s18+s3] =	stream.linear.scatter [tilespmem:s12], [sflag:$0x10], $0x2000, $0x38;
	[tilespmem:$0x15C00] =	vst v63  }
0x87: {  	s22 =	sadd.s32 $0xA00, s22;
	s24 =	sor.u32 s6, s17;
	_ =	swait.ge [sflag:s11], $0x2000  }
0x88: {  	s23 =	sadd.s32 $0x280000, s23;
	s18 =	sshrl.u32 s24, $0x3;
	[sflag:s11] =	ssyncset.done $0x0  }
0x89: {  	p0 =	sne.s32 s22, $0x6C00;
	s18 =	sadd.s32 s2, s18;
	[sflag:s11] =	ssyncadd.s32 $0xFFFFE000  }
0x8a: {  	[hbm4b:s18+s3] =	stream.linear.scatter [tilespmem:s13], [sflag:$0x11], $0x2000, $0x38;
	[tilespmem:$0x15C00] =	vst v63  }
0x8b: {  	s28 =	sadd.s32 $0x50000, s28;
	s25 =	sor.u32 s8, s17;
	_ =	swait.ge [sflag:s15], $0x2000  }
0x8c: {  	s30 =	sadd.s32 $0x50000, s30;
	s17 =	sshrl.u32 s25, $0x3;
	[sflag:s15] =	ssyncset.done $0x0  }
0x8d: {  	s26 =	sor.u32 s6, s0;
	s17 =	sadd.s32 s2, s17;
	[sflag:s15] =	ssyncadd.s32 $0xFFFFE000  }
0x8e: {  	[hbm4b:s17+s3] =	stream.linear.scatter [tilespmem:s14], [sflag:$0x12], $0x2000, $0x38;
	[tilespmem:$0x15C00] =	vst v63  }
0x8f: {  	s29 =	simm.s32 $0x9C00;
	s25 =	simm.s32 $0x5C00;
	_ =	swait.ge [sflag:s19], $0x2000  }
0x90: {  	s31 =	sor.u32 s8, s0;
	s17 =	sshrl.u32 s26, $0x3;
	[sflag:s19] =	ssyncset.done $0x0  }
0x91: {  	s0 =	sshrl.u32 s31, $0x3;
	s17 =	sadd.s32 s2, s17;
	[sflag:s19] =	ssyncadd.s32 $0xFFFFE000  }
0x92: {  	[hbm4b:s17+s3] =	stream.linear.scatter [tilespmem:s7], [sflag:$0x13], $0x2000, $0x38;
	[tilespmem:$0x15C00] =	vst v63  }
.Ltmp3:
0x93: {  	s0 =	sadd.s32 s2, s0;
	s4 =	simm.s32 $0xBC00;
	(pc) =	sbr.rel @!p0 .LBB2_6-.Ltmp3, $4  }
0x94: {  	s20 =	simm.s32 $0x1C00;
	s24 =	simm.s32 $0x3C00;
	_ =	swait.ge [sflag:s21], $0x2000  }
0x95: {  	s12 =	simm.s32 $0xDC00;
	s13 =	simm.s32 $0xFC00;
	[sflag:s21] =	ssyncset.done $0x0  }
0x96: {  	s26 =	simm.s32 $0x7C00;
	s14 =	simm.s32 $0x11C00;
	[sflag:s21] =	ssyncadd.s32 $0xFFFFE000  }
0x97: {  	[hbm4b:s0+s3] =	stream.linear.scatter [tilespmem:s9], [sflag:$0x14], $0x2000, $0x38;
	[tilespmem:$0x15C00] =	vst v63  }
.LBB2_2:
0x98: {  	p0 =	sne.s32 s22, $0x800  }
.Ltmp4:
0x99: {  	_ = 	snop;
	(pc) =	sbr.rel @p0 .LBB2_4-.Ltmp4, $1  }
0x9a: {  	_ =	sdelay $0x3  }
0x9b: {  	[tilespmem:s20], [sflag:$0x1] =	stream.indirect.gather [hbm4b:s1+s16], $0x80, s3, s16, $0xb8;
	[tilespmem:$0x15C00] =	vst v63  }
0x9c: {  	_ = 	snop  }
0x9d: {  	[tilespmem:s24], [sflag:$0x2] =	stream.indirect.gather [hbm4b:s1+s16], $0x80, s16, s16, $0xb8;
	[tilespmem:$0x15C00] =	vst v63  }
0x9e: {  	s0 =	simm.s32 $0x80  }
0x9f: {  	[tilespmem:s25], [sflag:$0x3] =	stream.indirect.gather [hbm4b:s1+s16], $0x80, s0, s16, $0xb8;
	[tilespmem:$0x15C00] =	vst v63  }
0xa0: {  	s17 =	simm.s32 $0xC0;
	s18 =	simm.s32 $0x100;
	s20 =	simm.s32 $0x140  }
0xa1: {  	[tilespmem:s26], [sflag:$0x4] =	stream.indirect.gather [hbm4b:s1+s16], $0x80, s17, s16, $0xb8;
	[tilespmem:$0x15C00] =	vst v63  }
0xa2: {  	s31 =	simm.s32 $0x7C00;
	s7 =	simm.s32 $0x11C00;
	s24 =	simm.s32 $0x180  }
0xa3: {  	[tilespmem:s29], [sflag:$0x5] =	stream.indirect.gather [hbm4b:s1+s16], $0x80, s18, s16, $0xb8;
	[tilespmem:$0x15C00] =	vst v63  }
0xa4: {  	s25 =	simm.s32 $0x1C0;
	s0 =	simm.s32 $0x200000;
	s26 =	simm.s32 $0x200  }
0xa5: {  	[tilespmem:s4], [sflag:$0x6] =	stream.indirect.gather [hbm4b:s1+s16], $0x80, s20, s16, $0xb8;
	[tilespmem:$0x15C00] =	vst v63  }
0xa6: {  	s17 =	simm.s32 $0x180000;
	s18 =	simm.s32 $0x100000;
	s29 =	simm.s32 $0x5C00  }
0xa7: {  	[tilespmem:s12], [sflag:$0x7] =	stream.indirect.gather [hbm4b:s1+s16], $0x80, s24, s16, $0xb8;
	[tilespmem:$0x15C00] =	vst v63  }
.Ltmp5:
0xa8: {  	s20 =	simm.s32 $0x80000;
	s4 =	simm.s32 $0x9C00;
	(pc) =	sbr.rel .LBB2_5-.Ltmp5, $4  }
0xa9: {  	[tilespmem:s13], [sflag:$0x8] =	stream.indirect.gather [hbm4b:s1+s16], $0x80, s25, s16, $0xb8;
	[tilespmem:$0x15C00] =	vst v63  }
0xaa: {  	s24 =	simm.s32 $0x1C00;
	s12 =	simm.s32 $0xBC00;
	s13 =	simm.s32 $0xDC00  }
0xab: {  	[tilespmem:s14], [sflag:$0x9] =	stream.indirect.gather [hbm4b:s1+s16], $0x80, s26, s16, $0xb8;
	[tilespmem:$0x15C00] =	vst v63  }
0xac: {  	s25 =	simm.s32 $0x800;
	s26 =	simm.s32 $0x3C00;
	s14 =	simm.s32 $0xFC00  }
.LBB2_7:
0xad: {  	_ =	sfence.sel $0x180000  }
0xae: {  	[bflag:$0x0] =	sbarrier.arrive $0xFFFF  }
0xaf: {  	_ =	strace $0x90000047  }
0xb0: {  	s0 =	stileid.u32;
	[bflag:$0x2] =	sbarrier.arrive $0xFFFF  }
0xb1: {  	p0 =	sne.s32 s0, $0x0;
	s0 =	rddreg [dreg:$0x3]  }
0xb2: {  	s0 =	sadd.s32 @!p0 $0x100000, s0  }
0xb3: {  	[sflag:s0] =	ssyncadd.tile.s32 @!p0 $0x1;
	_ =	shalt  }
.Lfunc_end2:
_tile_overlayer_lowered:
.L_overlay_start_2:
0xb4: {  	(tag) =	ssettag $0x2  }
0xb5: {  	s0 =	rddreg [dreg:$0x0];
	s2 =	stileid.u32  }
0xb6: {  	s1 =	rddreg [dreg:$0x1];
	p0 =	sne.s32 s2, $0x0  }
0xb7: {  	s3 =	rddreg [dreg:$0x2];
	[bflag:$0x3] =	sbarrier.arrive $0xFFFF;
	s2 =	simm.s32 @!p0 $0x1C15  }
0xb8: {  	[timem:s3], [sflag:s2] =	dma.local @!p0 [hbm:s0], s1  }
0xb9: {  	s0 =	simm.s32 @!p0 $0x15  }
0xba: {  	_ =	swait.ge @!p0 [sflag:s0], s1  }
0xbb: {  	s1 =	ssub.s32 @!p0 $0x0, s1;
	[sflag:s0] =	ssyncset.done @!p0 $0x0  }
0xbc: {  	[sflag:s0] =	ssyncadd.s32 @!p0 s1  }
0xbd: {  	[bflag:$0x3] =	sbarrier.arrive $0xFFFF  }
0xbe: {  	_ =	shalt  }

</sc_bundles>
